<compile_context>
chip_gen: v7x
topology: tpu7x:2x2x1
jax: 0.10.2.dev20260603
libtpu: 0.0.44.dev20260713+nightly
codegen_flags: <defaults>
</compile_context>

<pallas_src>
import functools

import jax
import jax.numpy as jnp
from jax import lax
from jax.experimental import pallas as pl
from jax.experimental.pallas import tpu as pltpu
from jax.experimental.pallas import tpu_sc as plsc

_N = 128
_P = 64
_B = 4096
_EPS = 1e-06



def _table_body(s_ref, g_ref, m_ref):
    s = s_ref[...]
    g = g_ref[...]
    row = lax.broadcasted_iota(jnp.int32, (_N, _N), 0)
    col = lax.broadcasted_iota(jnp.int32, (_N, _N), 1)
    offdiag = (row != col).astype(s.dtype)
    sz = s * offdiag[None, :, :]
    denom = jnp.maximum(jnp.sum(jnp.abs(sz), axis=-1, keepdims=True), _EPS)
    sp = jnp.maximum(g, 0.0) + jnp.log1p(jnp.exp(-jnp.abs(g))) + 1e-06
    sp = sp * (_N / jnp.maximum(jnp.sum(sp, axis=-1, keepdims=True), _EPS))
    m_ref[...] = (sz / denom) * sp[:, :, None]


def _build_table(S, G):
    return pl.pallas_call(
        _table_body,
        out_shape=jax.ShapeDtypeStruct((_P, _N, _N), jnp.float32),
    )(S, G)



_NSCS = 2
_BPS = _B // _NSCS
_IDXCH = 128
_NREF = _BPS // _IDXCH
_LAG = 64


def _scs_body(table_hbm, idx_hbm, out_hbm, idx_s, spt, semt, sem0):
    cid = lax.axis_index("c")
    base = cid * _BPS
    tcopy = pltpu.async_copy(table_hbm, spt, semt)

    def drain_one():
        pltpu.make_async_copy(spt.at[0], out_hbm.at[base], sem0).wait()

    def refill(r, carry):
        pltpu.sync_copy(idx_hbm.at[pl.ds(base + r * _IDXCH, _IDXCH)], idx_s)

        def body(j, carry2):
            i = r * _IDXCH + j
            pltpu.async_copy(spt.at[idx_s[j]], out_hbm.at[base + i], sem0)

            @pl.when(i >= _LAG)
            def _():
                drain_one()

            return carry2

        lax.fori_loop(0, _IDXCH, body, carry)
        return carry

    tcopy.wait()
    lax.fori_loop(0, _NREF, refill, 0)
    for _ in range(_LAG):
        drain_one()


@jax.jit
def _sc_gather(table, idx):
    mesh = plsc.ScalarSubcoreMesh(axis_name="c", num_cores=_NSCS)
    f = functools.partial(
        pl.kernel,
        mesh=mesh,
        out_type=jax.ShapeDtypeStruct((_B, _N, _N), jnp.float32),
        scratch_types=[
            pltpu.SMEM((_IDXCH,), jnp.int32),
            pltpu.VMEM_SHARED((_P, _N, _N), jnp.float32),
            pltpu.SemaphoreType.DMA,
            pltpu.SemaphoreType.DMA,
        ],
    )(_scs_body)
    return f(table, idx)


def kernel(phases, S, G):
    table = _build_table(S.astype(jnp.float32), G.astype(jnp.float32))
    return _sc_gather(table, phases.astype(jnp.int32))

# --- scband reference (transcript-rebuilt; emitter-appended) ---
"""Pipeline reference for scband-phase-graphs-46033459479290 (READ-ONLY COPY).

The authoritative reference and input builder live on the scoring server;
editing this copy changes nothing except your own understanding.
"""

import jax, jax.numpy as jnp
import numpy as np

N = 128
P = 64
B = 4096
EPS = 1e-06


def setup_inputs(seed: int = 0) -> dict:
    key = jax.random.key(seed)
    k1, k2, k3 = jax.random.split(key, 3)
    phases = jax.random.randint(k1, (B,), 0, P)
    S = jax.random.normal(k2, (P, N, N), dtype=jnp.float32)
    G = jax.random.normal(k3, (P, N), dtype=jnp.float32)
    return {"phases": phases, "S": S, "G": G}


def reference(phases, S, G):
    I = jnp.eye(N, dtype=S.dtype)
    # zero diagonal
    Sz = S * (1.0 - I)
    # row-wise signed L1 normalization
    denom = jnp.maximum(jnp.sum(jnp.abs(Sz), axis=-1, keepdims=True), EPS)
    A_tilde = Sz / denom
    # gather per-batch adjacency (embedding lookup over phases)
    A = jnp.take(A_tilde, phases, axis=0)
    # per-row gains
    g_all = jax.nn.softplus(G) + 1e-06
    g_all = g_all * (N / jnp.maximum(jnp.sum(g_all, axis=-1, keepdims=True), EPS))
    g = jnp.take(g_all, phases, axis=0)[..., None]
    A = A * g
    return A

if __name__ == "__main__":
    import jax
    _d = setup_inputs()
    print(jax.jit(kernel)(*tuple(_d.values())))

</pallas_src>

<mosaic_0001>
#map = affine_map<(d0) -> (0, 0, 0)>
#map1 = affine_map<(d0) -> (0)>
module attributes {stable_mosaic.version = 14 : i64} {
  func.func @_scs_body(%arg0: i32, %arg1: memref<64x128x128xf32, #tpu.memory_space<hbm>>, %arg2: memref<4096xi32, #tpu.memory_space<hbm>>, %arg3: memref<4096x128x128xf32, #tpu.memory_space<hbm>>, %arg4: memref<128xi32, #tpu.memory_space<smem>>, %arg5: memref<64x128x128xf32, #tpu.memory_space<vmem_shared>>, %arg6: memref<!tpu.dma_semaphore, #tpu.memory_space<semaphore_mem>>, %arg7: memref<!tpu.dma_semaphore, #tpu.memory_space<semaphore_mem>>) attributes {dimension_semantics = [#tpu.dimension_semantics<core_parallel>], iteration_bounds = array<i64: 2>, scalar_prefetch = 0 : i64, scratch_operands = 4 : i64, tpu.core_type = #tpu.core_type<sc_scalar_subcore>, window_params = [{transform_indices = #map}, {transform_indices = #map1}, {transform_indices = #map}]} {
    %mul3A = arith.constant 2048 : i32
    %mul3A_0 = arith.muli %arg0, %mul3A : i32
    tpu.enqueue_dma source(%arg1 : memref<64x128x128xf32, #tpu.memory_space<hbm>>) target(%arg5 : memref<64x128x128xf32, #tpu.memory_space<vmem_shared>>) target_semaphore(%arg6 : memref<!tpu.dma_semaphore, #tpu.memory_space<semaphore_mem>>)
    tpu.wait_dma2 semaphore(%arg6 : memref<!tpu.dma_semaphore, #tpu.memory_space<semaphore_mem>>) src(%arg1 : memref<64x128x128xf32, #tpu.memory_space<hbm>>) dst(%arg5 : memref<64x128x128xf32, #tpu.memory_space<vmem_shared>>)
    %scan3A = arith.constant 0 : i32
    %scan3A_1 = arith.constant 0 : i32
    %scan3A_2 = arith.constant 16 : i32
    %scan3A_3 = arith.addi %scan3A_1, %scan3A_2 : i32
    %scan3A_4 = arith.constant 1 : i32
    scf.for %scan3A_581 = %scan3A_1 to %scan3A_3 step %scan3A_4  : i32 {
      %mul3A_582 = arith.constant 128 : i32
      %mul3A_583 = arith.muli %scan3A_581, %mul3A_582 : i32
      %add3A = arith.addi %mul3A_0, %mul3A_583 : i32
      "tpu.region"() ({
        %run_scoped3A = tpu.sem_alloc : memref<!tpu.dma_semaphore, #tpu.memory_space<semaphore_mem>>
        %dma_start3A = tpu.memref_slice %arg2[%add3A] : memref<4096xi32, #tpu.memory_space<hbm>> -> memref<128xi32, #tpu.memory_space<hbm>>
        tpu.enqueue_dma source(%dma_start3A : memref<128xi32, #tpu.memory_space<hbm>>) target(%arg4 : memref<128xi32, #tpu.memory_space<smem>>) target_semaphore(%run_scoped3A : memref<!tpu.dma_semaphore, #tpu.memory_space<semaphore_mem>>)
        %dma_wait3A_589 = tpu.memref_slice %arg2[%add3A] : memref<4096xi32, #tpu.memory_space<hbm>> -> memref<128xi32, #tpu.memory_space<hbm>>
        tpu.wait_dma2 semaphore(%run_scoped3A : memref<!tpu.dma_semaphore, #tpu.memory_space<semaphore_mem>>) src(%dma_wait3A_589 : memref<128xi32, #tpu.memory_space<hbm>>) dst(%arg4 : memref<128xi32, #tpu.memory_space<smem>>)
        tpu.yield
      }) : () -> ()
      %scan3A_584 = arith.constant 0 : i32
      %scan3A_585 = arith.constant 128 : i32
      %scan3A_586 = arith.addi %scan3A_584, %scan3A_585 : i32
      %scan3A_587 = arith.constant 1 : i32
      scf.for %scan3A_589 = %scan3A_584 to %scan3A_586 step %scan3A_587  : i32 {
        %mul3A_590 = arith.constant 128 : i32
        %mul3A_591 = arith.muli %scan3A_581, %mul3A_590 : i32
        %add3A_592 = arith.addi %mul3A_591, %scan3A_589 : i32
        %get3A = arith.index_cast %scan3A_589 : i32 to index
        %get3A_593 = memref.load %arg4[%get3A] : memref<128xi32, #tpu.memory_space<smem>>
        %add3A_594 = arith.addi %mul3A_0, %add3A_592 : i32
        %dma_start3A = arith.constant 0 : i32
        %dma_start3A_595 = arith.constant 0 : i32
        %dma_start3A_596 = tpu.memref_slice %arg3[%add3A_594, %dma_start3A, %dma_start3A_595] : memref<4096x128x128xf32, #tpu.memory_space<hbm>> -> memref<1x128x128xf32, #tpu.memory_space<hbm>>
        %dma_start3A_597 = tpu.memref_squeeze %dma_start3A_596 : memref<1x128x128xf32, #tpu.memory_space<hbm>> -> memref<128x128xf32, #tpu.memory_space<hbm>>
        %dma_start3A_598 = arith.constant 0 : i32
        %dma_start3A_599 = arith.constant 0 : i32
        %dma_start3A_600 = tpu.memref_slice %arg5[%get3A_593, %dma_start3A_598, %dma_start3A_599] : memref<64x128x128xf32, #tpu.memory_space<vmem_shared>> -> memref<1x128x128xf32, #tpu.memory_space<vmem_shared>>
        %dma_start3A_601 = tpu.memref_squeeze %dma_start3A_600 : memref<1x128x128xf32, #tpu.memory_space<vmem_shared>> -> memref<128x128xf32, #tpu.memory_space<vmem_shared>>
        tpu.enqueue_dma source(%dma_start3A_601 : memref<128x128xf32, #tpu.memory_space<vmem_shared>>) target(%dma_start3A_597 : memref<128x128xf32, #tpu.memory_space<hbm>>) target_semaphore(%arg7 : memref<!tpu.dma_semaphore, #tpu.memory_space<semaphore_mem>>)
        %ge3A = arith.constant 64 : i32
        %ge3A_602 = arith.cmpi sge, %add3A_592, %ge3A : i32
        %convert_element_type3A = arith.extui %ge3A_602 : i1 to i32
        %cond3A = arith.constant 0 : i32
        %cond3A_603 = arith.cmpi ne, %convert_element_type3A, %cond3A : i32
        scf.if %cond3A_603 {
          %dma_wait3A_604 = arith.constant 0 : i32
          %dma_wait3A_605 = arith.constant 0 : i32
          %dma_wait3A_606 = arith.constant 0 : i32
          %dma_wait3A_607 = tpu.memref_slice %arg3[%mul3A_0, %dma_wait3A_605, %dma_wait3A_606] : memref<4096x128x128xf32, #tpu.memory_space<hbm>> -> memref<1x128x128xf32, #tpu.memory_space<hbm>>
          %dma_wait3A_608 = tpu.memref_squeeze %dma_wait3A_607 : memref<1x128x128xf32, #tpu.memory_space<hbm>> -> memref<128x128xf32, #tpu.memory_space<hbm>>
          %dma_wait3A_609 = arith.constant 0 : i32
          %dma_wait3A_610 = arith.constant 0 : i32
          %dma_wait3A_611 = tpu.memref_slice %arg5[%dma_wait3A_604, %dma_wait3A_609, %dma_wait3A_610] : memref<64x128x128xf32, #tpu.memory_space<vmem_shared>> -> memref<1x128x128xf32, #tpu.memory_space<vmem_shared>>
          %dma_wait3A_612 = tpu.memref_squeeze %dma_wait3A_611 : memref<1x128x128xf32, #tpu.memory_space<vmem_shared>> -> memref<128x128xf32, #tpu.memory_space<vmem_shared>>
          tpu.wait_dma2 semaphore(%arg7 : memref<!tpu.dma_semaphore, #tpu.memory_space<semaphore_mem>>) src(%dma_wait3A_612 : memref<128x128xf32, #tpu.memory_space<vmem_shared>>) dst(%dma_wait3A_608 : memref<128x128xf32, #tpu.memory_space<hbm>>)
        } else {
        }
      }
      %scan3A_588 = arith.constant 128 : i32
    }
    %scan3A_5 = arith.constant 16 : i32
    %dma_wait3A = arith.constant 0 : i32
    %dma_wait3A_6 = arith.constant 0 : i32
    %dma_wait3A_7 = arith.constant 0 : i32
    %dma_wait3A_8 = tpu.memref_slice %arg3[%mul3A_0, %dma_wait3A_6, %dma_wait3A_7] : memref<4096x128x128xf32, #tpu.memory_space<hbm>> -> memref<1x128x128xf32, #tpu.memory_space<hbm>>
    %dma_wait3A_9 = tpu.memref_squeeze %dma_wait3A_8 : memref<1x128x128xf32, #tpu.memory_space<hbm>> -> memref<128x128xf32, #tpu.memory_space<hbm>>
    %dma_wait3A_10 = arith.constant 0 : i32
    %dma_wait3A_11 = arith.constant 0 : i32
    %dma_wait3A_12 = tpu.memref_slice %arg5[%dma_wait3A, %dma_wait3A_10, %dma_wait3A_11] : memref<64x128x128xf32, #tpu.memory_space<vmem_shared>> -> memref<1x128x128xf32, #tpu.memory_space<vmem_shared>>
    %dma_wait3A_13 = tpu.memref_squeeze %dma_wait3A_12 : memref<1x128x128xf32, #tpu.memory_space<vmem_shared>> -> memref<128x128xf32, #tpu.memory_space<vmem_shared>>
    tpu.wait_dma2 semaphore(%arg7 : memref<!tpu.dma_semaphore, #tpu.memory_space<semaphore_mem>>) src(%dma_wait3A_13 : memref<128x128xf32, #tpu.memory_space<vmem_shared>>) dst(%dma_wait3A_9 : memref<128x128xf32, #tpu.memory_space<hbm>>)
    %dma_wait3A_14 = arith.constant 0 : i32
    %dma_wait3A_15 = arith.constant 0 : i32
    %dma_wait3A_16 = arith.constant 0 : i32
    %dma_wait3A_17 = tpu.memref_slice %arg3[%mul3A_0, %dma_wait3A_15, %dma_wait3A_16] : memref<4096x128x128xf32, #tpu.memory_space<hbm>> -> memref<1x128x128xf32, #tpu.memory_space<hbm>>
    %dma_wait3A_18 = tpu.memref_squeeze %dma_wait3A_17 : memref<1x128x128xf32, #tpu.memory_space<hbm>> -> memref<128x128xf32, #tpu.memory_space<hbm>>
    %dma_wait3A_19 = arith.constant 0 : i32
    %dma_wait3A_20 = arith.constant 0 : i32
    %dma_wait3A_21 = tpu.memref_slice %arg5[%dma_wait3A_14, %dma_wait3A_19, %dma_wait3A_20] : memref<64x128x128xf32, #tpu.memory_space<vmem_shared>> -> memref<1x128x128xf32, #tpu.memory_space<vmem_shared>>
    %dma_wait3A_22 = tpu.memref_squeeze %dma_wait3A_21 : memref<1x128x128xf32, #tpu.memory_space<vmem_shared>> -> memref<128x128xf32, #tpu.memory_space<vmem_shared>>
    tpu.wait_dma2 semaphore(%arg7 : memref<!tpu.dma_semaphore, #tpu.memory_space<semaphore_mem>>) src(%dma_wait3A_22 : memref<128x128xf32, #tpu.memory_space<vmem_shared>>) dst(%dma_wait3A_18 : memref<128x128xf32, #tpu.memory_space<hbm>>)
    %dma_wait3A_23 = arith.constant 0 : i32
    %dma_wait3A_24 = arith.constant 0 : i32
    %dma_wait3A_25 = arith.constant 0 : i32
    %dma_wait3A_26 = tpu.memref_slice %arg3[%mul3A_0, %dma_wait3A_24, %dma_wait3A_25] : memref<4096x128x128xf32, #tpu.memory_space<hbm>> -> memref<1x128x128xf32, #tpu.memory_space<hbm>>
    %dma_wait3A_27 = tpu.memref_squeeze %dma_wait3A_26 : memref<1x128x128xf32, #tpu.memory_space<hbm>> -> memref<128x128xf32, #tpu.memory_space<hbm>>
    %dma_wait3A_28 = arith.constant 0 : i32
    %dma_wait3A_29 = arith.constant 0 : i32
    %dma_wait3A_30 = tpu.memref_slice %arg5[%dma_wait3A_23, %dma_wait3A_28, %dma_wait3A_29] : memref<64x128x128xf32, #tpu.memory_space<vmem_shared>> -> memref<1x128x128xf32, #tpu.memory_space<vmem_shared>>
    %dma_wait3A_31 = tpu.memref_squeeze %dma_wait3A_30 : memref<1x128x128xf32, #tpu.memory_space<vmem_shared>> -> memref<128x128xf32, #tpu.memory_space<vmem_shared>>
    tpu.wait_dma2 semaphore(%arg7 : memref<!tpu.dma_semaphore, #tpu.memory_space<semaphore_mem>>) src(%dma_wait3A_31 : memref<128x128xf32, #tpu.memory_space<vmem_shared>>) dst(%dma_wait3A_27 : memref<128x128xf32, #tpu.memory_space<hbm>>)
    %dma_wait3A_32 = arith.constant 0 : i32
    %dma_wait3A_33 = arith.constant 0 : i32
    %dma_wait3A_34 = arith.constant 0 : i32
    %dma_wait3A_35 = tpu.memref_slice %arg3[%mul3A_0, %dma_wait3A_33, %dma_wait3A_34] : memref<4096x128x128xf32, #tpu.memory_space<hbm>> -> memref<1x128x128xf32, #tpu.memory_space<hbm>>
    %dma_wait3A_36 = tpu.memref_squeeze %dma_wait3A_35 : memref<1x128x128xf32, #tpu.memory_space<hbm>> -> memref<128x128xf32, #tpu.memory_space<hbm>>
    %dma_wait3A_37 = arith.constant 0 : i32
    %dma_wait3A_38 = arith.constant 0 : i32
    %dma_wait3A_39 = tpu.memref_slice %arg5[%dma_wait3A_32, %dma_wait3A_37, %dma_wait3A_38] : memref<64x128x128xf32, #tpu.memory_space<vmem_shared>> -> memref<1x128x128xf32, #tpu.memory_space<vmem_shared>>
    %dma_wait3A_40 = tpu.memref_squeeze %dma_wait3A_39 : memref<1x128x128xf32, #tpu.memory_space<vmem_shared>> -> memref<128x128xf32, #tpu.memory_space<vmem_shared>>
    tpu.wait_dma2 semaphore(%arg7 : memref<!tpu.dma_semaphore, #tpu.memory_space<semaphore_mem>>) src(%dma_wait3A_40 : memref<128x128xf32, #tpu.memory_space<vmem_shared>>) dst(%dma_wait3A_36 : memref<128x128xf32, #tpu.memory_space<hbm>>)
    %dma_wait3A_41 = arith.constant 0 : i32
    %dma_wait3A_42 = arith.constant 0 : i32
    %dma_wait3A_43 = arith.constant 0 : i32
    %dma_wait3A_44 = tpu.memref_slice %arg3[%mul3A_0, %dma_wait3A_42, %dma_wait3A_43] : memref<4096x128x128xf32, #tpu.memory_space<hbm>> -> memref<1x128x128xf32, #tpu.memory_space<hbm>>
    %dma_wait3A_45 = tpu.memref_squeeze %dma_wait3A_44 : memref<1x128x128xf32, #tpu.memory_space<hbm>> -> memref<128x128xf32, #tpu.memory_space<hbm>>
    %dma_wait3A_46 = arith.constant 0 : i32
    %dma_wait3A_47 = arith.constant 0 : i32
    %dma_wait3A_48 = tpu.memref_slice %arg5[%dma_wait3A_41, %dma_wait3A_46, %dma_wait3A_47] : memref<64x128x128xf32, #tpu.memory_space<vmem_shared>> -> memref<1x128x128xf32, #tpu.memory_space<vmem_shared>>
    %dma_wait3A_49 = tpu.memref_squeeze %dma_wait3A_48 : memref<1x128x128xf32, #tpu.memory_space<vmem_shared>> -> memref<128x128xf32, #tpu.memory_space<vmem_shared>>
    tpu.wait_dma2 semaphore(%arg7 : memref<!tpu.dma_semaphore, #tpu.memory_space<semaphore_mem>>) src(%dma_wait3A_49 : memref<128x128xf32, #tpu.memory_space<vmem_shared>>) dst(%dma_wait3A_45 : memref<128x128xf32, #tpu.memory_space<hbm>>)
    %dma_wait3A_50 = arith.constant 0 : i32
    %dma_wait3A_51 = arith.constant 0 : i32
    %dma_wait3A_52 = arith.constant 0 : i32
    %dma_wait3A_53 = tpu.memref_slice %arg3[%mul3A_0, %dma_wait3A_51, %dma_wait3A_52] : memref<4096x128x128xf32, #tpu.memory_space<hbm>> -> memref<1x128x128xf32, #tpu.memory_space<hbm>>
    %dma_wait3A_54 = tpu.memref_squeeze %dma_wait3A_53 : memref<1x128x128xf32, #tpu.memory_space<hbm>> -> memref<128x128xf32, #tpu.memory_space<hbm>>
    %dma_wait3A_55 = arith.constant 0 : i32
    %dma_wait3A_56 = arith.constant 0 : i32
    %dma_wait3A_57 = tpu.memref_slice %arg5[%dma_wait3A_50, %dma_wait3A_55, %dma_wait3A_56] : memref<64x128x128xf32, #tpu.memory_space<vmem_shared>> -> memref<1x128x128xf32, #tpu.memory_space<vmem_shared>>
    %dma_wait3A_58 = tpu.memref_squeeze %dma_wait3A_57 : memref<1x128x128xf32, #tpu.memory_space<vmem_shared>> -> memref<128x128xf32, #tpu.memory_space<vmem_shared>>
    tpu.wait_dma2 semaphore(%arg7 : memref<!tpu.dma_semaphore, #tpu.memory_space<semaphore_mem>>) src(%dma_wait3A_58 : memref<128x128xf32, #tpu.memory_space<vmem_shared>>) dst(%dma_wait3A_54 : memref<128x128xf32, #tpu.memory_space<hbm>>)
    %dma_wait3A_59 = arith.constant 0 : i32
    %dma_wait3A_60 = arith.constant 0 : i32
    %dma_wait3A_61 = arith.constant 0 : i32
    %dma_wait3A_62 = tpu.memref_slice %arg3[%mul3A_0, %dma_wait3A_60, %dma_wait3A_61] : memref<4096x128x128xf32, #tpu.memory_space<hbm>> -> memref<1x128x128xf32, #tpu.memory_space<hbm>>
    %dma_wait3A_63 = tpu.memref_squeeze %dma_wait3A_62 : memref<1x128x128xf32, #tpu.memory_space<hbm>> -> memref<128x128xf32, #tpu.memory_space<hbm>>
    %dma_wait3A_64 = arith.constant 0 : i32
    %dma_wait3A_65 = arith.constant 0 : i32
    %dma_wait3A_66 = tpu.memref_slice %arg5[%dma_wait3A_59, %dma_wait3A_64, %dma_wait3A_65] : memref<64x128x128xf32, #tpu.memory_space<vmem_shared>> -> memref<1x128x128xf32, #tpu.memory_space<vmem_shared>>
    %dma_wait3A_67 = tpu.memref_squeeze %dma_wait3A_66 : memref<1x128x128xf32, #tpu.memory_space<vmem_shared>> -> memref<128x128xf32, #tpu.memory_space<vmem_shared>>
    tpu.wait_dma2 semaphore(%arg7 : memref<!tpu.dma_semaphore, #tpu.memory_space<semaphore_mem>>) src(%dma_wait3A_67 : memref<128x128xf32, #tpu.memory_space<vmem_shared>>) dst(%dma_wait3A_63 : memref<128x128xf32, #tpu.memory_space<hbm>>)
    %dma_wait3A_68 = arith.constant 0 : i32
    %dma_wait3A_69 = arith.constant 0 : i32
    %dma_wait3A_70 = arith.constant 0 : i32
    %dma_wait3A_71 = tpu.memref_slice %arg3[%mul3A_0, %dma_wait3A_69, %dma_wait3A_70] : memref<4096x128x128xf32, #tpu.memory_space<hbm>> -> memref<1x128x128xf32, #tpu.memory_space<hbm>>
    %dma_wait3A_72 = tpu.memref_squeeze %dma_wait3A_71 : memref<1x128x128xf32, #tpu.memory_space<hbm>> -> memref<128x128xf32, #tpu.memory_space<hbm>>
    %dma_wait3A_73 = arith.constant 0 : i32
    %dma_wait3A_74 = arith.constant 0 : i32
    %dma_wait3A_75 = tpu.memref_slice %arg5[%dma_wait3A_68, %dma_wait3A_73, %dma_wait3A_74] : memref<64x128x128xf32, #tpu.memory_space<vmem_shared>> -> memref<1x128x128xf32, #tpu.memory_space<vmem_shared>>
    %dma_wait3A_76 = tpu.memref_squeeze %dma_wait3A_75 : memref<1x128x128xf32, #tpu.memory_space<vmem_shared>> -> memref<128x128xf32, #tpu.memory_space<vmem_shared>>
    tpu.wait_dma2 semaphore(%arg7 : memref<!tpu.dma_semaphore, #tpu.memory_space<semaphore_mem>>) src(%dma_wait3A_76 : memref<128x128xf32, #tpu.memory_space<vmem_shared>>) dst(%dma_wait3A_72 : memref<128x128xf32, #tpu.memory_space<hbm>>)
    %dma_wait3A_77 = arith.constant 0 : i32
    %dma_wait3A_78 = arith.constant 0 : i32
    %dma_wait3A_79 = arith.constant 0 : i32
    %dma_wait3A_80 = tpu.memref_slice %arg3[%mul3A_0, %dma_wait3A_78, %dma_wait3A_79] : memref<4096x128x128xf32, #tpu.memory_space<hbm>> -> memref<1x128x128xf32, #tpu.memory_space<hbm>>
    %dma_wait3A_81 = tpu.memref_squeeze %dma_wait3A_80 : memref<1x128x128xf32, #tpu.memory_space<hbm>> -> memref<128x128xf32, #tpu.memory_space<hbm>>
    %dma_wait3A_82 = arith.constant 0 : i32
    %dma_wait3A_83 = arith.constant 0 : i32
    %dma_wait3A_84 = tpu.memref_slice %arg5[%dma_wait3A_77, %dma_wait3A_82, %dma_wait3A_83] : memref<64x128x128xf32, #tpu.memory_space<vmem_shared>> -> memref<1x128x128xf32, #tpu.memory_space<vmem_shared>>
    %dma_wait3A_85 = tpu.memref_squeeze %dma_wait3A_84 : memref<1x128x128xf32, #tpu.memory_space<vmem_shared>> -> memref<128x128xf32, #tpu.memory_space<vmem_shared>>
    tpu.wait_dma2 semaphore(%arg7 : memref<!tpu.dma_semaphore, #tpu.memory_space<semaphore_mem>>) src(%dma_wait3A_85 : memref<128x128xf32, #tpu.memory_space<vmem_shared>>) dst(%dma_wait3A_81 : memref<128x128xf32, #tpu.memory_space<hbm>>)
    %dma_wait3A_86 = arith.constant 0 : i32
    %dma_wait3A_87 = arith.constant 0 : i32
    %dma_wait3A_88 = arith.constant 0 : i32
    %dma_wait3A_89 = tpu.memref_slice %arg3[%mul3A_0, %dma_wait3A_87, %dma_wait3A_88] : memref<4096x128x128xf32, #tpu.memory_space<hbm>> -> memref<1x128x128xf32, #tpu.memory_space<hbm>>
    %dma_wait3A_90 = tpu.memref_squeeze %dma_wait3A_89 : memref<1x128x128xf32, #tpu.memory_space<hbm>> -> memref<128x128xf32, #tpu.memory_space<hbm>>
    %dma_wait3A_91 = arith.constant 0 : i32
    %dma_wait3A_92 = arith.constant 0 : i32
    %dma_wait3A_93 = tpu.memref_slice %arg5[%dma_wait3A_86, %dma_wait3A_91, %dma_wait3A_92] : memref<64x128x128xf32, #tpu.memory_space<vmem_shared>> -> memref<1x128x128xf32, #tpu.memory_space<vmem_shared>>
    %dma_wait3A_94 = tpu.memref_squeeze %dma_wait3A_93 : memref<1x128x128xf32, #tpu.memory_space<vmem_shared>> -> memref<128x128xf32, #tpu.memory_space<vmem_shared>>
    tpu.wait_dma2 semaphore(%arg7 : memref<!tpu.dma_semaphore, #tpu.memory_space<semaphore_mem>>) src(%dma_wait3A_94 : memref<128x128xf32, #tpu.memory_space<vmem_shared>>) dst(%dma_wait3A_90 : memref<128x128xf32, #tpu.memory_space<hbm>>)
    %dma_wait3A_95 = arith.constant 0 : i32
    %dma_wait3A_96 = arith.constant 0 : i32
    %dma_wait3A_97 = arith.constant 0 : i32
    %dma_wait3A_98 = tpu.memref_slice %arg3[%mul3A_0, %dma_wait3A_96, %dma_wait3A_97] : memref<4096x128x128xf32, #tpu.memory_space<hbm>> -> memref<1x128x128xf32, #tpu.memory_space<hbm>>
    %dma_wait3A_99 = tpu.memref_squeeze %dma_wait3A_98 : memref<1x128x128xf32, #tpu.memory_space<hbm>> -> memref<128x128xf32, #tpu.memory_space<hbm>>
    %dma_wait3A_100 = arith.constant 0 : i32
    %dma_wait3A_101 = arith.constant 0 : i32
    %dma_wait3A_102 = tpu.memref_slice %arg5[%dma_wait3A_95, %dma_wait3A_100, %dma_wait3A_101] : memref<64x128x128xf32, #tpu.memory_space<vmem_shared>> -> memref<1x128x128xf32, #tpu.memory_space<vmem_shared>>
    %dma_wait3A_103 = tpu.memref_squeeze %dma_wait3A_102 : memref<1x128x128xf32, #tpu.memory_space<vmem_shared>> -> memref<128x128xf32, #tpu.memory_space<vmem_shared>>
    tpu.wait_dma2 semaphore(%arg7 : memref<!tpu.dma_semaphore, #tpu.memory_space<semaphore_mem>>) src(%dma_wait3A_103 : memref<128x128xf32, #tpu.memory_space<vmem_shared>>) dst(%dma_wait3A_99 : memref<128x128xf32, #tpu.memory_space<hbm>>)
    %dma_wait3A_104 = arith.constant 0 : i32
    %dma_wait3A_105 = arith.constant 0 : i32
    %dma_wait3A_106 = arith.constant 0 : i32
    %dma_wait3A_107 = tpu.memref_slice %arg3[%mul3A_0, %dma_wait3A_105, %dma_wait3A_106] : memref<4096x128x128xf32, #tpu.memory_space<hbm>> -> memref<1x128x128xf32, #tpu.memory_space<hbm>>
    %dma_wait3A_108 = tpu.memref_squeeze %dma_wait3A_107 : memref<1x128x128xf32, #tpu.memory_space<hbm>> -> memref<128x128xf32, #tpu.memory_space<hbm>>
    %dma_wait3A_109 = arith.constant 0 : i32
    %dma_wait3A_110 = arith.constant 0 : i32
    %dma_wait3A_111 = tpu.memref_slice %arg5[%dma_wait3A_104, %dma_wait3A_109, %dma_wait3A_110] : memref<64x128x128xf32, #tpu.memory_space<vmem_shared>> -> memref<1x128x128xf32, #tpu.memory_space<vmem_shared>>
    %dma_wait3A_112 = tpu.memref_squeeze %dma_wait3A_111 : memref<1x128x128xf32, #tpu.memory_space<vmem_shared>> -> memref<128x128xf32, #tpu.memory_space<vmem_shared>>
    tpu.wait_dma2 semaphore(%arg7 : memref<!tpu.dma_semaphore, #tpu.memory_space<semaphore_mem>>) src(%dma_wait3A_112 : memref<128x128xf32, #tpu.memory_space<vmem_shared>>) dst(%dma_wait3A_108 : memref<128x128xf32, #tpu.memory_space<hbm>>)
    %dma_wait3A_113 = arith.constant 0 : i32
    %dma_wait3A_114 = arith.constant 0 : i32
    %dma_wait3A_115 = arith.constant 0 : i32
    %dma_wait3A_116 = tpu.memref_slice %arg3[%mul3A_0, %dma_wait3A_114, %dma_wait3A_115] : memref<4096x128x128xf32, #tpu.memory_space<hbm>> -> memref<1x128x128xf32, #tpu.memory_space<hbm>>
    %dma_wait3A_117 = tpu.memref_squeeze %dma_wait3A_116 : memref<1x128x128xf32, #tpu.memory_space<hbm>> -> memref<128x128xf32, #tpu.memory_space<hbm>>
    %dma_wait3A_118 = arith.constant 0 : i32
    %dma_wait3A_119 = arith.constant 0 : i32
    %dma_wait3A_120 = tpu.memref_slice %arg5[%dma_wait3A_113, %dma_wait3A_118, %dma_wait3A_119] : memref<64x128x128xf32, #tpu.memory_space<vmem_shared>> -> memref<1x128x128xf32, #tpu.memory_space<vmem_shared>>
    %dma_wait3A_121 = tpu.memref_squeeze %dma_wait3A_120 : memref<1x128x128xf32, #tpu.memory_space<vmem_shared>> -> memref<128x128xf32, #tpu.memory_space<vmem_shared>>
    tpu.wait_dma2 semaphore(%arg7 : memref<!tpu.dma_semaphore, #tpu.memory_space<semaphore_mem>>) src(%dma_wait3A_121 : memref<128x128xf32, #tpu.memory_space<vmem_shared>>) dst(%dma_wait3A_117 : memref<128x128xf32, #tpu.memory_space<hbm>>)
    %dma_wait3A_122 = arith.constant 0 : i32
    %dma_wait3A_123 = arith.constant 0 : i32
    %dma_wait3A_124 = arith.constant 0 : i32
    %dma_wait3A_125 = tpu.memref_slice %arg3[%mul3A_0, %dma_wait3A_123, %dma_wait3A_124] : memref<4096x128x128xf32, #tpu.memory_space<hbm>> -> memref<1x128x128xf32, #tpu.memory_space<hbm>>
    %dma_wait3A_126 = tpu.memref_squeeze %dma_wait3A_125 : memref<1x128x128xf32, #tpu.memory_space<hbm>> -> memref<128x128xf32, #tpu.memory_space<hbm>>
    %dma_wait3A_127 = arith.constant 0 : i32
    %dma_wait3A_128 = arith.constant 0 : i32
    %dma_wait3A_129 = tpu.memref_slice %arg5[%dma_wait3A_122, %dma_wait3A_127, %dma_wait3A_128] : memref<64x128x128xf32, #tpu.memory_space<vmem_shared>> -> memref<1x128x128xf32, #tpu.memory_space<vmem_shared>>
    %dma_wait3A_130 = tpu.memref_squeeze %dma_wait3A_129 : memref<1x128x128xf32, #tpu.memory_space<vmem_shared>> -> memref<128x128xf32, #tpu.memory_space<vmem_shared>>
    tpu.wait_dma2 semaphore(%arg7 : memref<!tpu.dma_semaphore, #tpu.memory_space<semaphore_mem>>) src(%dma_wait3A_130 : memref<128x128xf32, #tpu.memory_space<vmem_shared>>) dst(%dma_wait3A_126 : memref<128x128xf32, #tpu.memory_space<hbm>>)
    %dma_wait3A_131 = arith.constant 0 : i32
    %dma_wait3A_132 = arith.constant 0 : i32
    %dma_wait3A_133 = arith.constant 0 : i32
    %dma_wait3A_134 = tpu.memref_slice %arg3[%mul3A_0, %dma_wait3A_132, %dma_wait3A_133] : memref<4096x128x128xf32, #tpu.memory_space<hbm>> -> memref<1x128x128xf32, #tpu.memory_space<hbm>>
    %dma_wait3A_135 = tpu.memref_squeeze %dma_wait3A_134 : memref<1x128x128xf32, #tpu.memory_space<hbm>> -> memref<128x128xf32, #tpu.memory_space<hbm>>
    %dma_wait3A_136 = arith.constant 0 : i32
    %dma_wait3A_137 = arith.constant 0 : i32
    %dma_wait3A_138 = tpu.memref_slice %arg5[%dma_wait3A_131, %dma_wait3A_136, %dma_wait3A_137] : memref<64x128x128xf32, #tpu.memory_space<vmem_shared>> -> memref<1x128x128xf32, #tpu.memory_space<vmem_shared>>
    %dma_wait3A_139 = tpu.memref_squeeze %dma_wait3A_138 : memref<1x128x128xf32, #tpu.memory_space<vmem_shared>> -> memref<128x128xf32, #tpu.memory_space<vmem_shared>>
    tpu.wait_dma2 semaphore(%arg7 : memref<!tpu.dma_semaphore, #tpu.memory_space<semaphore_mem>>) src(%dma_wait3A_139 : memref<128x128xf32, #tpu.memory_space<vmem_shared>>) dst(%dma_wait3A_135 : memref<128x128xf32, #tpu.memory_space<hbm>>)
    %dma_wait3A_140 = arith.constant 0 : i32
    %dma_wait3A_141 = arith.constant 0 : i32
    %dma_wait3A_142 = arith.constant 0 : i32
    %dma_wait3A_143 = tpu.memref_slice %arg3[%mul3A_0, %dma_wait3A_141, %dma_wait3A_142] : memref<4096x128x128xf32, #tpu.memory_space<hbm>> -> memref<1x128x128xf32, #tpu.memory_space<hbm>>
    %dma_wait3A_144 = tpu.memref_squeeze %dma_wait3A_143 : memref<1x128x128xf32, #tpu.memory_space<hbm>> -> memref<128x128xf32, #tpu.memory_space<hbm>>
    %dma_wait3A_145 = arith.constant 0 : i32
    %dma_wait3A_146 = arith.constant 0 : i32
    %dma_wait3A_147 = tpu.memref_slice %arg5[%dma_wait3A_140, %dma_wait3A_145, %dma_wait3A_146] : memref<64x128x128xf32, #tpu.memory_space<vmem_shared>> -> memref<1x128x128xf32, #tpu.memory_space<vmem_shared>>
    %dma_wait3A_148 = tpu.memref_squeeze %dma_wait3A_147 : memref<1x128x128xf32, #tpu.memory_space<vmem_shared>> -> memref<128x128xf32, #tpu.memory_space<vmem_shared>>
    tpu.wait_dma2 semaphore(%arg7 : memref<!tpu.dma_semaphore, #tpu.memory_space<semaphore_mem>>) src(%dma_wait3A_148 : memref<128x128xf32, #tpu.memory_space<vmem_shared>>) dst(%dma_wait3A_144 : memref<128x128xf32, #tpu.memory_space<hbm>>)
    %dma_wait3A_149 = arith.constant 0 : i32
    %dma_wait3A_150 = arith.constant 0 : i32
    %dma_wait3A_151 = arith.constant 0 : i32
    %dma_wait3A_152 = tpu.memref_slice %arg3[%mul3A_0, %dma_wait3A_150, %dma_wait3A_151] : memref<4096x128x128xf32, #tpu.memory_space<hbm>> -> memref<1x128x128xf32, #tpu.memory_space<hbm>>
    %dma_wait3A_153 = tpu.memref_squeeze %dma_wait3A_152 : memref<1x128x128xf32, #tpu.memory_space<hbm>> -> memref<128x128xf32, #tpu.memory_space<hbm>>
    %dma_wait3A_154 = arith.constant 0 : i32
    %dma_wait3A_155 = arith.constant 0 : i32
    %dma_wait3A_156 = tpu.memref_slice %arg5[%dma_wait3A_149, %dma_wait3A_154, %dma_wait3A_155] : memref<64x128x128xf32, #tpu.memory_space<vmem_shared>> -> memref<1x128x128xf32, #tpu.memory_space<vmem_shared>>
    %dma_wait3A_157 = tpu.memref_squeeze %dma_wait3A_156 : memref<1x128x128xf32, #tpu.memory_space<vmem_shared>> -> memref<128x128xf32, #tpu.memory_space<vmem_shared>>
    tpu.wait_dma2 semaphore(%arg7 : memref<!tpu.dma_semaphore, #tpu.memory_space<semaphore_mem>>) src(%dma_wait3A_157 : memref<128x128xf32, #tpu.memory_space<vmem_shared>>) dst(%dma_wait3A_153 : memref<128x128xf32, #tpu.memory_space<hbm>>)
    %dma_wait3A_158 = arith.constant 0 : i32
    %dma_wait3A_159 = arith.constant 0 : i32
    %dma_wait3A_160 = arith.constant 0 : i32
    %dma_wait3A_161 = tpu.memref_slice %arg3[%mul3A_0, %dma_wait3A_159, %dma_wait3A_160] : memref<4096x128x128xf32, #tpu.memory_space<hbm>> -> memref<1x128x128xf32, #tpu.memory_space<hbm>>
    %dma_wait3A_162 = tpu.memref_squeeze %dma_wait3A_161 : memref<1x128x128xf32, #tpu.memory_space<hbm>> -> memref<128x128xf32, #tpu.memory_space<hbm>>
    %dma_wait3A_163 = arith.constant 0 : i32
    %dma_wait3A_164 = arith.constant 0 : i32
    %dma_wait3A_165 = tpu.memref_slice %arg5[%dma_wait3A_158, %dma_wait3A_163, %dma_wait3A_164] : memref<64x128x128xf32, #tpu.memory_space<vmem_shared>> -> memref<1x128x128xf32, #tpu.memory_space<vmem_shared>>
    %dma_wait3A_166 = tpu.memref_squeeze %dma_wait3A_165 : memref<1x128x128xf32, #tpu.memory_space<vmem_shared>> -> memref<128x128xf32, #tpu.memory_space<vmem_shared>>
    tpu.wait_dma2 semaphore(%arg7 : memref<!tpu.dma_semaphore, #tpu.memory_space<semaphore_mem>>) src(%dma_wait3A_166 : memref<128x128xf32, #tpu.memory_space<vmem_shared>>) dst(%dma_wait3A_162 : memref<128x128xf32, #tpu.memory_space<hbm>>)
    %dma_wait3A_167 = arith.constant 0 : i32
    %dma_wait3A_168 = arith.constant 0 : i32
    %dma_wait3A_169 = arith.constant 0 : i32
    %dma_wait3A_170 = tpu.memref_slice %arg3[%mul3A_0, %dma_wait3A_168, %dma_wait3A_169] : memref<4096x128x128xf32, #tpu.memory_space<hbm>> -> memref<1x128x128xf32, #tpu.memory_space<hbm>>
    %dma_wait3A_171 = tpu.memref_squeeze %dma_wait3A_170 : memref<1x128x128xf32, #tpu.memory_space<hbm>> -> memref<128x128xf32, #tpu.memory_space<hbm>>
    %dma_wait3A_172 = arith.constant 0 : i32
    %dma_wait3A_173 = arith.constant 0 : i32
    %dma_wait3A_174 = tpu.memref_slice %arg5[%dma_wait3A_167, %dma_wait3A_172, %dma_wait3A_173] : memref<64x128x128xf32, #tpu.memory_space<vmem_shared>> -> memref<1x128x128xf32, #tpu.memory_space<vmem_shared>>
    %dma_wait3A_175 = tpu.memref_squeeze %dma_wait3A_174 : memref<1x128x128xf32, #tpu.memory_space<vmem_shared>> -> memref<128x128xf32, #tpu.memory_space<vmem_shared>>
    tpu.wait_dma2 semaphore(%arg7 : memref<!tpu.dma_semaphore, #tpu.memory_space<semaphore_mem>>) src(%dma_wait3A_175 : memref<128x128xf32, #tpu.memory_space<vmem_shared>>) dst(%dma_wait3A_171 : memref<128x128xf32, #tpu.memory_space<hbm>>)
    %dma_wait3A_176 = arith.constant 0 : i32
    %dma_wait3A_177 = arith.constant 0 : i32
    %dma_wait3A_178 = arith.constant 0 : i32
    %dma_wait3A_179 = tpu.memref_slice %arg3[%mul3A_0, %dma_wait3A_177, %dma_wait3A_178] : memref<4096x128x128xf32, #tpu.memory_space<hbm>> -> memref<1x128x128xf32, #tpu.memory_space<hbm>>
    %dma_wait3A_180 = tpu.memref_squeeze %dma_wait3A_179 : memref<1x128x128xf32, #tpu.memory_space<hbm>> -> memref<128x128xf32, #tpu.memory_space<hbm>>
    %dma_wait3A_181 = arith.constant 0 : i32
    %dma_wait3A_182 = arith.constant 0 : i32
    %dma_wait3A_183 = tpu.memref_slice %arg5[%dma_wait3A_176, %dma_wait3A_181, %dma_wait3A_182] : memref<64x128x128xf32, #tpu.memory_space<vmem_shared>> -> memref<1x128x128xf32, #tpu.memory_space<vmem_shared>>
    %dma_wait3A_184 = tpu.memref_squeeze %dma_wait3A_183 : memref<1x128x128xf32, #tpu.memory_space<vmem_shared>> -> memref<128x128xf32, #tpu.memory_space<vmem_shared>>
    tpu.wait_dma2 semaphore(%arg7 : memref<!tpu.dma_semaphore, #tpu.memory_space<semaphore_mem>>) src(%dma_wait3A_184 : memref<128x128xf32, #tpu.memory_space<vmem_shared>>) dst(%dma_wait3A_180 : memref<128x128xf32, #tpu.memory_space<hbm>>)
    %dma_wait3A_185 = arith.constant 0 : i32
    %dma_wait3A_186 = arith.constant 0 : i32
    %dma_wait3A_187 = arith.constant 0 : i32
    %dma_wait3A_188 = tpu.memref_slice %arg3[%mul3A_0, %dma_wait3A_186, %dma_wait3A_187] : memref<4096x128x128xf32, #tpu.memory_space<hbm>> -> memref<1x128x128xf32, #tpu.memory_space<hbm>>
    %dma_wait3A_189 = tpu.memref_squeeze %dma_wait3A_188 : memref<1x128x128xf32, #tpu.memory_space<hbm>> -> memref<128x128xf32, #tpu.memory_space<hbm>>
    %dma_wait3A_190 = arith.constant 0 : i32
    %dma_wait3A_191 = arith.constant 0 : i32
    %dma_wait3A_192 = tpu.memref_slice %arg5[%dma_wait3A_185, %dma_wait3A_190, %dma_wait3A_191] : memref<64x128x128xf32, #tpu.memory_space<vmem_shared>> -> memref<1x128x128xf32, #tpu.memory_space<vmem_shared>>
    %dma_wait3A_193 = tpu.memref_squeeze %dma_wait3A_192 : memref<1x128x128xf32, #tpu.memory_space<vmem_shared>> -> memref<128x128xf32, #tpu.memory_space<vmem_shared>>
    tpu.wait_dma2 semaphore(%arg7 : memref<!tpu.dma_semaphore, #tpu.memory_space<semaphore_mem>>) src(%dma_wait3A_193 : memref<128x128xf32, #tpu.memory_space<vmem_shared>>) dst(%dma_wait3A_189 : memref<128x128xf32, #tpu.memory_space<hbm>>)
    %dma_wait3A_194 = arith.constant 0 : i32
    %dma_wait3A_195 = arith.constant 0 : i32
    %dma_wait3A_196 = arith.constant 0 : i32
    %dma_wait3A_197 = tpu.memref_slice %arg3[%mul3A_0, %dma_wait3A_195, %dma_wait3A_196] : memref<4096x128x128xf32, #tpu.memory_space<hbm>> -> memref<1x128x128xf32, #tpu.memory_space<hbm>>
    %dma_wait3A_198 = tpu.memref_squeeze %dma_wait3A_197 : memref<1x128x128xf32, #tpu.memory_space<hbm>> -> memref<128x128xf32, #tpu.memory_space<hbm>>
    %dma_wait3A_199 = arith.constant 0 : i32
    %dma_wait3A_200 = arith.constant 0 : i32
    %dma_wait3A_201 = tpu.memref_slice %arg5[%dma_wait3A_194, %dma_wait3A_199, %dma_wait3A_200] : memref<64x128x128xf32, #tpu.memory_space<vmem_shared>> -> memref<1x128x128xf32, #tpu.memory_space<vmem_shared>>
    %dma_wait3A_202 = tpu.memref_squeeze %dma_wait3A_201 : memref<1x128x128xf32, #tpu.memory_space<vmem_shared>> -> memref<128x128xf32, #tpu.memory_space<vmem_shared>>
    tpu.wait_dma2 semaphore(%arg7 : memref<!tpu.dma_semaphore, #tpu.memory_space<semaphore_mem>>) src(%dma_wait3A_202 : memref<128x128xf32, #tpu.memory_space<vmem_shared>>) dst(%dma_wait3A_198 : memref<128x128xf32, #tpu.memory_space<hbm>>)
    %dma_wait3A_203 = arith.constant 0 : i32
    %dma_wait3A_204 = arith.constant 0 : i32
    %dma_wait3A_205 = arith.constant 0 : i32
    %dma_wait3A_206 = tpu.memref_slice %arg3[%mul3A_0, %dma_wait3A_204, %dma_wait3A_205] : memref<4096x128x128xf32, #tpu.memory_space<hbm>> -> memref<1x128x128xf32, #tpu.memory_space<hbm>>
    %dma_wait3A_207 = tpu.memref_squeeze %dma_wait3A_206 : memref<1x128x128xf32, #tpu.memory_space<hbm>> -> memref<128x128xf32, #tpu.memory_space<hbm>>
    %dma_wait3A_208 = arith.constant 0 : i32
    %dma_wait3A_209 = arith.constant 0 : i32
    %dma_wait3A_210 = tpu.memref_slice %arg5[%dma_wait3A_203, %dma_wait3A_208, %dma_wait3A_209] : memref<64x128x128xf32, #tpu.memory_space<vmem_shared>> -> memref<1x128x128xf32, #tpu.memory_space<vmem_shared>>
    %dma_wait3A_211 = tpu.memref_squeeze %dma_wait3A_210 : memref<1x128x128xf32, #tpu.memory_space<vmem_shared>> -> memref<128x128xf32, #tpu.memory_space<vmem_shared>>
    tpu.wait_dma2 semaphore(%arg7 : memref<!tpu.dma_semaphore, #tpu.memory_space<semaphore_mem>>) src(%dma_wait3A_211 : memref<128x128xf32, #tpu.memory_space<vmem_shared>>) dst(%dma_wait3A_207 : memref<128x128xf32, #tpu.memory_space<hbm>>)
    %dma_wait3A_212 = arith.constant 0 : i32
    %dma_wait3A_213 = arith.constant 0 : i32
    %dma_wait3A_214 = arith.constant 0 : i32
    %dma_wait3A_215 = tpu.memref_slice %arg3[%mul3A_0, %dma_wait3A_213, %dma_wait3A_214] : memref<4096x128x128xf32, #tpu.memory_space<hbm>> -> memref<1x128x128xf32, #tpu.memory_space<hbm>>
    %dma_wait3A_216 = tpu.memref_squeeze %dma_wait3A_215 : memref<1x128x128xf32, #tpu.memory_space<hbm>> -> memref<128x128xf32, #tpu.memory_space<hbm>>
    %dma_wait3A_217 = arith.constant 0 : i32
    %dma_wait3A_218 = arith.constant 0 : i32
    %dma_wait3A_219 = tpu.memref_slice %arg5[%dma_wait3A_212, %dma_wait3A_217, %dma_wait3A_218] : memref<64x128x128xf32, #tpu.memory_space<vmem_shared>> -> memref<1x128x128xf32, #tpu.memory_space<vmem_shared>>
    %dma_wait3A_220 = tpu.memref_squeeze %dma_wait3A_219 : memref<1x128x128xf32, #tpu.memory_space<vmem_shared>> -> memref<128x128xf32, #tpu.memory_space<vmem_shared>>
    tpu.wait_dma2 semaphore(%arg7 : memref<!tpu.dma_semaphore, #tpu.memory_space<semaphore_mem>>) src(%dma_wait3A_220 : memref<128x128xf32, #tpu.memory_space<vmem_shared>>) dst(%dma_wait3A_216 : memref<128x128xf32, #tpu.memory_space<hbm>>)
    %dma_wait3A_221 = arith.constant 0 : i32
    %dma_wait3A_222 = arith.constant 0 : i32
    %dma_wait3A_223 = arith.constant 0 : i32
    %dma_wait3A_224 = tpu.memref_slice %arg3[%mul3A_0, %dma_wait3A_222, %dma_wait3A_223] : memref<4096x128x128xf32, #tpu.memory_space<hbm>> -> memref<1x128x128xf32, #tpu.memory_space<hbm>>
    %dma_wait3A_225 = tpu.memref_squeeze %dma_wait3A_224 : memref<1x128x128xf32, #tpu.memory_space<hbm>> -> memref<128x128xf32, #tpu.memory_space<hbm>>
    %dma_wait3A_226 = arith.constant 0 : i32
    %dma_wait3A_227 = arith.constant 0 : i32
    %dma_wait3A_228 = tpu.memref_slice %arg5[%dma_wait3A_221, %dma_wait3A_226, %dma_wait3A_227] : memref<64x128x128xf32, #tpu.memory_space<vmem_shared>> -> memref<1x128x128xf32, #tpu.memory_space<vmem_shared>>
    %dma_wait3A_229 = tpu.memref_squeeze %dma_wait3A_228 : memref<1x128x128xf32, #tpu.memory_space<vmem_shared>> -> memref<128x128xf32, #tpu.memory_space<vmem_shared>>
    tpu.wait_dma2 semaphore(%arg7 : memref<!tpu.dma_semaphore, #tpu.memory_space<semaphore_mem>>) src(%dma_wait3A_229 : memref<128x128xf32, #tpu.memory_space<vmem_shared>>) dst(%dma_wait3A_225 : memref<128x128xf32, #tpu.memory_space<hbm>>)
    %dma_wait3A_230 = arith.constant 0 : i32
    %dma_wait3A_231 = arith.constant 0 : i32
    %dma_wait3A_232 = arith.constant 0 : i32
    %dma_wait3A_233 = tpu.memref_slice %arg3[%mul3A_0, %dma_wait3A_231, %dma_wait3A_232] : memref<4096x128x128xf32, #tpu.memory_space<hbm>> -> memref<1x128x128xf32, #tpu.memory_space<hbm>>
    %dma_wait3A_234 = tpu.memref_squeeze %dma_wait3A_233 : memref<1x128x128xf32, #tpu.memory_space<hbm>> -> memref<128x128xf32, #tpu.memory_space<hbm>>
    %dma_wait3A_235 = arith.constant 0 : i32
    %dma_wait3A_236 = arith.constant 0 : i32
    %dma_wait3A_237 = tpu.memref_slice %arg5[%dma_wait3A_230, %dma_wait3A_235, %dma_wait3A_236] : memref<64x128x128xf32, #tpu.memory_space<vmem_shared>> -> memref<1x128x128xf32, #tpu.memory_space<vmem_shared>>
    %dma_wait3A_238 = tpu.memref_squeeze %dma_wait3A_237 : memref<1x128x128xf32, #tpu.memory_space<vmem_shared>> -> memref<128x128xf32, #tpu.memory_space<vmem_shared>>
    tpu.wait_dma2 semaphore(%arg7 : memref<!tpu.dma_semaphore, #tpu.memory_space<semaphore_mem>>) src(%dma_wait3A_238 : memref<128x128xf32, #tpu.memory_space<vmem_shared>>) dst(%dma_wait3A_234 : memref<128x128xf32, #tpu.memory_space<hbm>>)
    %dma_wait3A_239 = arith.constant 0 : i32
    %dma_wait3A_240 = arith.constant 0 : i32
    %dma_wait3A_241 = arith.constant 0 : i32
    %dma_wait3A_242 = tpu.memref_slice %arg3[%mul3A_0, %dma_wait3A_240, %dma_wait3A_241] : memref<4096x128x128xf32, #tpu.memory_space<hbm>> -> memref<1x128x128xf32, #tpu.memory_space<hbm>>
    %dma_wait3A_243 = tpu.memref_squeeze %dma_wait3A_242 : memref<1x128x128xf32, #tpu.memory_space<hbm>> -> memref<128x128xf32, #tpu.memory_space<hbm>>
    %dma_wait3A_244 = arith.constant 0 : i32
    %dma_wait3A_245 = arith.constant 0 : i32
    %dma_wait3A_246 = tpu.memref_slice %arg5[%dma_wait3A_239, %dma_wait3A_244, %dma_wait3A_245] : memref<64x128x128xf32, #tpu.memory_space<vmem_shared>> -> memref<1x128x128xf32, #tpu.memory_space<vmem_shared>>
    %dma_wait3A_247 = tpu.memref_squeeze %dma_wait3A_246 : memref<1x128x128xf32, #tpu.memory_space<vmem_shared>> -> memref<128x128xf32, #tpu.memory_space<vmem_shared>>
    tpu.wait_dma2 semaphore(%arg7 : memref<!tpu.dma_semaphore, #tpu.memory_space<semaphore_mem>>) src(%dma_wait3A_247 : memref<128x128xf32, #tpu.memory_space<vmem_shared>>) dst(%dma_wait3A_243 : memref<128x128xf32, #tpu.memory_space<hbm>>)
    %dma_wait3A_248 = arith.constant 0 : i32
    %dma_wait3A_249 = arith.constant 0 : i32
    %dma_wait3A_250 = arith.constant 0 : i32
    %dma_wait3A_251 = tpu.memref_slice %arg3[%mul3A_0, %dma_wait3A_249, %dma_wait3A_250] : memref<4096x128x128xf32, #tpu.memory_space<hbm>> -> memref<1x128x128xf32, #tpu.memory_space<hbm>>
    %dma_wait3A_252 = tpu.memref_squeeze %dma_wait3A_251 : memref<1x128x128xf32, #tpu.memory_space<hbm>> -> memref<128x128xf32, #tpu.memory_space<hbm>>
    %dma_wait3A_253 = arith.constant 0 : i32
    %dma_wait3A_254 = arith.constant 0 : i32
    %dma_wait3A_255 = tpu.memref_slice %arg5[%dma_wait3A_248, %dma_wait3A_253, %dma_wait3A_254] : memref<64x128x128xf32, #tpu.memory_space<vmem_shared>> -> memref<1x128x128xf32, #tpu.memory_space<vmem_shared>>
    %dma_wait3A_256 = tpu.memref_squeeze %dma_wait3A_255 : memref<1x128x128xf32, #tpu.memory_space<vmem_shared>> -> memref<128x128xf32, #tpu.memory_space<vmem_shared>>
    tpu.wait_dma2 semaphore(%arg7 : memref<!tpu.dma_semaphore, #tpu.memory_space<semaphore_mem>>) src(%dma_wait3A_256 : memref<128x128xf32, #tpu.memory_space<vmem_shared>>) dst(%dma_wait3A_252 : memref<128x128xf32, #tpu.memory_space<hbm>>)
    %dma_wait3A_257 = arith.constant 0 : i32
    %dma_wait3A_258 = arith.constant 0 : i32
    %dma_wait3A_259 = arith.constant 0 : i32
    %dma_wait3A_260 = tpu.memref_slice %arg3[%mul3A_0, %dma_wait3A_258, %dma_wait3A_259] : memref<4096x128x128xf32, #tpu.memory_space<hbm>> -> memref<1x128x128xf32, #tpu.memory_space<hbm>>
    %dma_wait3A_261 = tpu.memref_squeeze %dma_wait3A_260 : memref<1x128x128xf32, #tpu.memory_space<hbm>> -> memref<128x128xf32, #tpu.memory_space<hbm>>
    %dma_wait3A_262 = arith.constant 0 : i32
    %dma_wait3A_263 = arith.constant 0 : i32
    %dma_wait3A_264 = tpu.memref_slice %arg5[%dma_wait3A_257, %dma_wait3A_262, %dma_wait3A_263] : memref<64x128x128xf32, #tpu.memory_space<vmem_shared>> -> memref<1x128x128xf32, #tpu.memory_space<vmem_shared>>
    %dma_wait3A_265 = tpu.memref_squeeze %dma_wait3A_264 : memref<1x128x128xf32, #tpu.memory_space<vmem_shared>> -> memref<128x128xf32, #tpu.memory_space<vmem_shared>>
    tpu.wait_dma2 semaphore(%arg7 : memref<!tpu.dma_semaphore, #tpu.memory_space<semaphore_mem>>) src(%dma_wait3A_265 : memref<128x128xf32, #tpu.memory_space<vmem_shared>>) dst(%dma_wait3A_261 : memref<128x128xf32, #tpu.memory_space<hbm>>)
    %dma_wait3A_266 = arith.constant 0 : i32
    %dma_wait3A_267 = arith.constant 0 : i32
    %dma_wait3A_268 = arith.constant 0 : i32
    %dma_wait3A_269 = tpu.memref_slice %arg3[%mul3A_0, %dma_wait3A_267, %dma_wait3A_268] : memref<4096x128x128xf32, #tpu.memory_space<hbm>> -> memref<1x128x128xf32, #tpu.memory_space<hbm>>
    %dma_wait3A_270 = tpu.memref_squeeze %dma_wait3A_269 : memref<1x128x128xf32, #tpu.memory_space<hbm>> -> memref<128x128xf32, #tpu.memory_space<hbm>>
    %dma_wait3A_271 = arith.constant 0 : i32
    %dma_wait3A_272 = arith.constant 0 : i32
    %dma_wait3A_273 = tpu.memref_slice %arg5[%dma_wait3A_266, %dma_wait3A_271, %dma_wait3A_272] : memref<64x128x128xf32, #tpu.memory_space<vmem_shared>> -> memref<1x128x128xf32, #tpu.memory_space<vmem_shared>>
    %dma_wait3A_274 = tpu.memref_squeeze %dma_wait3A_273 : memref<1x128x128xf32, #tpu.memory_space<vmem_shared>> -> memref<128x128xf32, #tpu.memory_space<vmem_shared>>
    tpu.wait_dma2 semaphore(%arg7 : memref<!tpu.dma_semaphore, #tpu.memory_space<semaphore_mem>>) src(%dma_wait3A_274 : memref<128x128xf32, #tpu.memory_space<vmem_shared>>) dst(%dma_wait3A_270 : memref<128x128xf32, #tpu.memory_space<hbm>>)
    %dma_wait3A_275 = arith.constant 0 : i32
    %dma_wait3A_276 = arith.constant 0 : i32
    %dma_wait3A_277 = arith.constant 0 : i32
    %dma_wait3A_278 = tpu.memref_slice %arg3[%mul3A_0, %dma_wait3A_276, %dma_wait3A_277] : memref<4096x128x128xf32, #tpu.memory_space<hbm>> -> memref<1x128x128xf32, #tpu.memory_space<hbm>>
    %dma_wait3A_279 = tpu.memref_squeeze %dma_wait3A_278 : memref<1x128x128xf32, #tpu.memory_space<hbm>> -> memref<128x128xf32, #tpu.memory_space<hbm>>
    %dma_wait3A_280 = arith.constant 0 : i32
    %dma_wait3A_281 = arith.constant 0 : i32
    %dma_wait3A_282 = tpu.memref_slice %arg5[%dma_wait3A_275, %dma_wait3A_280, %dma_wait3A_281] : memref<64x128x128xf32, #tpu.memory_space<vmem_shared>> -> memref<1x128x128xf32, #tpu.memory_space<vmem_shared>>
    %dma_wait3A_283 = tpu.memref_squeeze %dma_wait3A_282 : memref<1x128x128xf32, #tpu.memory_space<vmem_shared>> -> memref<128x128xf32, #tpu.memory_space<vmem_shared>>
    tpu.wait_dma2 semaphore(%arg7 : memref<!tpu.dma_semaphore, #tpu.memory_space<semaphore_mem>>) src(%dma_wait3A_283 : memref<128x128xf32, #tpu.memory_space<vmem_shared>>) dst(%dma_wait3A_279 : memref<128x128xf32, #tpu.memory_space<hbm>>)
    %dma_wait3A_284 = arith.constant 0 : i32
    %dma_wait3A_285 = arith.constant 0 : i32
    %dma_wait3A_286 = arith.constant 0 : i32
    %dma_wait3A_287 = tpu.memref_slice %arg3[%mul3A_0, %dma_wait3A_285, %dma_wait3A_286] : memref<4096x128x128xf32, #tpu.memory_space<hbm>> -> memref<1x128x128xf32, #tpu.memory_space<hbm>>
    %dma_wait3A_288 = tpu.memref_squeeze %dma_wait3A_287 : memref<1x128x128xf32, #tpu.memory_space<hbm>> -> memref<128x128xf32, #tpu.memory_space<hbm>>
    %dma_wait3A_289 = arith.constant 0 : i32
    %dma_wait3A_290 = arith.constant 0 : i32
    %dma_wait3A_291 = tpu.memref_slice %arg5[%dma_wait3A_284, %dma_wait3A_289, %dma_wait3A_290] : memref<64x128x128xf32, #tpu.memory_space<vmem_shared>> -> memref<1x128x128xf32, #tpu.memory_space<vmem_shared>>
    %dma_wait3A_292 = tpu.memref_squeeze %dma_wait3A_291 : memref<1x128x128xf32, #tpu.memory_space<vmem_shared>> -> memref<128x128xf32, #tpu.memory_space<vmem_shared>>
    tpu.wait_dma2 semaphore(%arg7 : memref<!tpu.dma_semaphore, #tpu.memory_space<semaphore_mem>>) src(%dma_wait3A_292 : memref<128x128xf32, #tpu.memory_space<vmem_shared>>) dst(%dma_wait3A_288 : memref<128x128xf32, #tpu.memory_space<hbm>>)
    %dma_wait3A_293 = arith.constant 0 : i32
    %dma_wait3A_294 = arith.constant 0 : i32
    %dma_wait3A_295 = arith.constant 0 : i32
    %dma_wait3A_296 = tpu.memref_slice %arg3[%mul3A_0, %dma_wait3A_294, %dma_wait3A_295] : memref<4096x128x128xf32, #tpu.memory_space<hbm>> -> memref<1x128x128xf32, #tpu.memory_space<hbm>>
    %dma_wait3A_297 = tpu.memref_squeeze %dma_wait3A_296 : memref<1x128x128xf32, #tpu.memory_space<hbm>> -> memref<128x128xf32, #tpu.memory_space<hbm>>
    %dma_wait3A_298 = arith.constant 0 : i32
    %dma_wait3A_299 = arith.constant 0 : i32
    %dma_wait3A_300 = tpu.memref_slice %arg5[%dma_wait3A_293, %dma_wait3A_298, %dma_wait3A_299] : memref<64x128x128xf32, #tpu.memory_space<vmem_shared>> -> memref<1x128x128xf32, #tpu.memory_space<vmem_shared>>
    %dma_wait3A_301 = tpu.memref_squeeze %dma_wait3A_300 : memref<1x128x128xf32, #tpu.memory_space<vmem_shared>> -> memref<128x128xf32, #tpu.memory_space<vmem_shared>>
    tpu.wait_dma2 semaphore(%arg7 : memref<!tpu.dma_semaphore, #tpu.memory_space<semaphore_mem>>) src(%dma_wait3A_301 : memref<128x128xf32, #tpu.memory_space<vmem_shared>>) dst(%dma_wait3A_297 : memref<128x128xf32, #tpu.memory_space<hbm>>)
    %dma_wait3A_302 = arith.constant 0 : i32
    %dma_wait3A_303 = arith.constant 0 : i32
    %dma_wait3A_304 = arith.constant 0 : i32
    %dma_wait3A_305 = tpu.memref_slice %arg3[%mul3A_0, %dma_wait3A_303, %dma_wait3A_304] : memref<4096x128x128xf32, #tpu.memory_space<hbm>> -> memref<1x128x128xf32, #tpu.memory_space<hbm>>
    %dma_wait3A_306 = tpu.memref_squeeze %dma_wait3A_305 : memref<1x128x128xf32, #tpu.memory_space<hbm>> -> memref<128x128xf32, #tpu.memory_space<hbm>>
    %dma_wait3A_307 = arith.constant 0 : i32
    %dma_wait3A_308 = arith.constant 0 : i32
    %dma_wait3A_309 = tpu.memref_slice %arg5[%dma_wait3A_302, %dma_wait3A_307, %dma_wait3A_308] : memref<64x128x128xf32, #tpu.memory_space<vmem_shared>> -> memref<1x128x128xf32, #tpu.memory_space<vmem_shared>>
    %dma_wait3A_310 = tpu.memref_squeeze %dma_wait3A_309 : memref<1x128x128xf32, #tpu.memory_space<vmem_shared>> -> memref<128x128xf32, #tpu.memory_space<vmem_shared>>
    tpu.wait_dma2 semaphore(%arg7 : memref<!tpu.dma_semaphore, #tpu.memory_space<semaphore_mem>>) src(%dma_wait3A_310 : memref<128x128xf32, #tpu.memory_space<vmem_shared>>) dst(%dma_wait3A_306 : memref<128x128xf32, #tpu.memory_space<hbm>>)
    %dma_wait3A_311 = arith.constant 0 : i32
    %dma_wait3A_312 = arith.constant 0 : i32
    %dma_wait3A_313 = arith.constant 0 : i32
    %dma_wait3A_314 = tpu.memref_slice %arg3[%mul3A_0, %dma_wait3A_312, %dma_wait3A_313] : memref<4096x128x128xf32, #tpu.memory_space<hbm>> -> memref<1x128x128xf32, #tpu.memory_space<hbm>>
    %dma_wait3A_315 = tpu.memref_squeeze %dma_wait3A_314 : memref<1x128x128xf32, #tpu.memory_space<hbm>> -> memref<128x128xf32, #tpu.memory_space<hbm>>
    %dma_wait3A_316 = arith.constant 0 : i32
    %dma_wait3A_317 = arith.constant 0 : i32
    %dma_wait3A_318 = tpu.memref_slice %arg5[%dma_wait3A_311, %dma_wait3A_316, %dma_wait3A_317] : memref<64x128x128xf32, #tpu.memory_space<vmem_shared>> -> memref<1x128x128xf32, #tpu.memory_space<vmem_shared>>
    %dma_wait3A_319 = tpu.memref_squeeze %dma_wait3A_318 : memref<1x128x128xf32, #tpu.memory_space<vmem_shared>> -> memref<128x128xf32, #tpu.memory_space<vmem_shared>>
    tpu.wait_dma2 semaphore(%arg7 : memref<!tpu.dma_semaphore, #tpu.memory_space<semaphore_mem>>) src(%dma_wait3A_319 : memref<128x128xf32, #tpu.memory_space<vmem_shared>>) dst(%dma_wait3A_315 : memref<128x128xf32, #tpu.memory_space<hbm>>)
    %dma_wait3A_320 = arith.constant 0 : i32
    %dma_wait3A_321 = arith.constant 0 : i32
    %dma_wait3A_322 = arith.constant 0 : i32
    %dma_wait3A_323 = tpu.memref_slice %arg3[%mul3A_0, %dma_wait3A_321, %dma_wait3A_322] : memref<4096x128x128xf32, #tpu.memory_space<hbm>> -> memref<1x128x128xf32, #tpu.memory_space<hbm>>
    %dma_wait3A_324 = tpu.memref_squeeze %dma_wait3A_323 : memref<1x128x128xf32, #tpu.memory_space<hbm>> -> memref<128x128xf32, #tpu.memory_space<hbm>>
    %dma_wait3A_325 = arith.constant 0 : i32
    %dma_wait3A_326 = arith.constant 0 : i32
    %dma_wait3A_327 = tpu.memref_slice %arg5[%dma_wait3A_320, %dma_wait3A_325, %dma_wait3A_326] : memref<64x128x128xf32, #tpu.memory_space<vmem_shared>> -> memref<1x128x128xf32, #tpu.memory_space<vmem_shared>>
    %dma_wait3A_328 = tpu.memref_squeeze %dma_wait3A_327 : memref<1x128x128xf32, #tpu.memory_space<vmem_shared>> -> memref<128x128xf32, #tpu.memory_space<vmem_shared>>
    tpu.wait_dma2 semaphore(%arg7 : memref<!tpu.dma_semaphore, #tpu.memory_space<semaphore_mem>>) src(%dma_wait3A_328 : memref<128x128xf32, #tpu.memory_space<vmem_shared>>) dst(%dma_wait3A_324 : memref<128x128xf32, #tpu.memory_space<hbm>>)
    %dma_wait3A_329 = arith.constant 0 : i32
    %dma_wait3A_330 = arith.constant 0 : i32
    %dma_wait3A_331 = arith.constant 0 : i32
    %dma_wait3A_332 = tpu.memref_slice %arg3[%mul3A_0, %dma_wait3A_330, %dma_wait3A_331] : memref<4096x128x128xf32, #tpu.memory_space<hbm>> -> memref<1x128x128xf32, #tpu.memory_space<hbm>>
    %dma_wait3A_333 = tpu.memref_squeeze %dma_wait3A_332 : memref<1x128x128xf32, #tpu.memory_space<hbm>> -> memref<128x128xf32, #tpu.memory_space<hbm>>
    %dma_wait3A_334 = arith.constant 0 : i32
    %dma_wait3A_335 = arith.constant 0 : i32
    %dma_wait3A_336 = tpu.memref_slice %arg5[%dma_wait3A_329, %dma_wait3A_334, %dma_wait3A_335] : memref<64x128x128xf32, #tpu.memory_space<vmem_shared>> -> memref<1x128x128xf32, #tpu.memory_space<vmem_shared>>
    %dma_wait3A_337 = tpu.memref_squeeze %dma_wait3A_336 : memref<1x128x128xf32, #tpu.memory_space<vmem_shared>> -> memref<128x128xf32, #tpu.memory_space<vmem_shared>>
    tpu.wait_dma2 semaphore(%arg7 : memref<!tpu.dma_semaphore, #tpu.memory_space<semaphore_mem>>) src(%dma_wait3A_337 : memref<128x128xf32, #tpu.memory_space<vmem_shared>>) dst(%dma_wait3A_333 : memref<128x128xf32, #tpu.memory_space<hbm>>)
    %dma_wait3A_338 = arith.constant 0 : i32
    %dma_wait3A_339 = arith.constant 0 : i32
    %dma_wait3A_340 = arith.constant 0 : i32
    %dma_wait3A_341 = tpu.memref_slice %arg3[%mul3A_0, %dma_wait3A_339, %dma_wait3A_340] : memref<4096x128x128xf32, #tpu.memory_space<hbm>> -> memref<1x128x128xf32, #tpu.memory_space<hbm>>
    %dma_wait3A_342 = tpu.memref_squeeze %dma_wait3A_341 : memref<1x128x128xf32, #tpu.memory_space<hbm>> -> memref<128x128xf32, #tpu.memory_space<hbm>>
    %dma_wait3A_343 = arith.constant 0 : i32
    %dma_wait3A_344 = arith.constant 0 : i32
    %dma_wait3A_345 = tpu.memref_slice %arg5[%dma_wait3A_338, %dma_wait3A_343, %dma_wait3A_344] : memref<64x128x128xf32, #tpu.memory_space<vmem_shared>> -> memref<1x128x128xf32, #tpu.memory_space<vmem_shared>>
    %dma_wait3A_346 = tpu.memref_squeeze %dma_wait3A_345 : memref<1x128x128xf32, #tpu.memory_space<vmem_shared>> -> memref<128x128xf32, #tpu.memory_space<vmem_shared>>
    tpu.wait_dma2 semaphore(%arg7 : memref<!tpu.dma_semaphore, #tpu.memory_space<semaphore_mem>>) src(%dma_wait3A_346 : memref<128x128xf32, #tpu.memory_space<vmem_shared>>) dst(%dma_wait3A_342 : memref<128x128xf32, #tpu.memory_space<hbm>>)
    %dma_wait3A_347 = arith.constant 0 : i32
    %dma_wait3A_348 = arith.constant 0 : i32
    %dma_wait3A_349 = arith.constant 0 : i32
    %dma_wait3A_350 = tpu.memref_slice %arg3[%mul3A_0, %dma_wait3A_348, %dma_wait3A_349] : memref<4096x128x128xf32, #tpu.memory_space<hbm>> -> memref<1x128x128xf32, #tpu.memory_space<hbm>>
    %dma_wait3A_351 = tpu.memref_squeeze %dma_wait3A_350 : memref<1x128x128xf32, #tpu.memory_space<hbm>> -> memref<128x128xf32, #tpu.memory_space<hbm>>
    %dma_wait3A_352 = arith.constant 0 : i32
    %dma_wait3A_353 = arith.constant 0 : i32
    %dma_wait3A_354 = tpu.memref_slice %arg5[%dma_wait3A_347, %dma_wait3A_352, %dma_wait3A_353] : memref<64x128x128xf32, #tpu.memory_space<vmem_shared>> -> memref<1x128x128xf32, #tpu.memory_space<vmem_shared>>
    %dma_wait3A_355 = tpu.memref_squeeze %dma_wait3A_354 : memref<1x128x128xf32, #tpu.memory_space<vmem_shared>> -> memref<128x128xf32, #tpu.memory_space<vmem_shared>>
    tpu.wait_dma2 semaphore(%arg7 : memref<!tpu.dma_semaphore, #tpu.memory_space<semaphore_mem>>) src(%dma_wait3A_355 : memref<128x128xf32, #tpu.memory_space<vmem_shared>>) dst(%dma_wait3A_351 : memref<128x128xf32, #tpu.memory_space<hbm>>)
    %dma_wait3A_356 = arith.constant 0 : i32
    %dma_wait3A_357 = arith.constant 0 : i32
    %dma_wait3A_358 = arith.constant 0 : i32
    %dma_wait3A_359 = tpu.memref_slice %arg3[%mul3A_0, %dma_wait3A_357, %dma_wait3A_358] : memref<4096x128x128xf32, #tpu.memory_space<hbm>> -> memref<1x128x128xf32, #tpu.memory_space<hbm>>
    %dma_wait3A_360 = tpu.memref_squeeze %dma_wait3A_359 : memref<1x128x128xf32, #tpu.memory_space<hbm>> -> memref<128x128xf32, #tpu.memory_space<hbm>>
    %dma_wait3A_361 = arith.constant 0 : i32
    %dma_wait3A_362 = arith.constant 0 : i32
    %dma_wait3A_363 = tpu.memref_slice %arg5[%dma_wait3A_356, %dma_wait3A_361, %dma_wait3A_362] : memref<64x128x128xf32, #tpu.memory_space<vmem_shared>> -> memref<1x128x128xf32, #tpu.memory_space<vmem_shared>>
    %dma_wait3A_364 = tpu.memref_squeeze %dma_wait3A_363 : memref<1x128x128xf32, #tpu.memory_space<vmem_shared>> -> memref<128x128xf32, #tpu.memory_space<vmem_shared>>
    tpu.wait_dma2 semaphore(%arg7 : memref<!tpu.dma_semaphore, #tpu.memory_space<semaphore_mem>>) src(%dma_wait3A_364 : memref<128x128xf32, #tpu.memory_space<vmem_shared>>) dst(%dma_wait3A_360 : memref<128x128xf32, #tpu.memory_space<hbm>>)
    %dma_wait3A_365 = arith.constant 0 : i32
    %dma_wait3A_366 = arith.constant 0 : i32
    %dma_wait3A_367 = arith.constant 0 : i32
    %dma_wait3A_368 = tpu.memref_slice %arg3[%mul3A_0, %dma_wait3A_366, %dma_wait3A_367] : memref<4096x128x128xf32, #tpu.memory_space<hbm>> -> memref<1x128x128xf32, #tpu.memory_space<hbm>>
    %dma_wait3A_369 = tpu.memref_squeeze %dma_wait3A_368 : memref<1x128x128xf32, #tpu.memory_space<hbm>> -> memref<128x128xf32, #tpu.memory_space<hbm>>
    %dma_wait3A_370 = arith.constant 0 : i32
    %dma_wait3A_371 = arith.constant 0 : i32
    %dma_wait3A_372 = tpu.memref_slice %arg5[%dma_wait3A_365, %dma_wait3A_370, %dma_wait3A_371] : memref<64x128x128xf32, #tpu.memory_space<vmem_shared>> -> memref<1x128x128xf32, #tpu.memory_space<vmem_shared>>
    %dma_wait3A_373 = tpu.memref_squeeze %dma_wait3A_372 : memref<1x128x128xf32, #tpu.memory_space<vmem_shared>> -> memref<128x128xf32, #tpu.memory_space<vmem_shared>>
    tpu.wait_dma2 semaphore(%arg7 : memref<!tpu.dma_semaphore, #tpu.memory_space<semaphore_mem>>) src(%dma_wait3A_373 : memref<128x128xf32, #tpu.memory_space<vmem_shared>>) dst(%dma_wait3A_369 : memref<128x128xf32, #tpu.memory_space<hbm>>)
    %dma_wait3A_374 = arith.constant 0 : i32
    %dma_wait3A_375 = arith.constant 0 : i32
    %dma_wait3A_376 = arith.constant 0 : i32
    %dma_wait3A_377 = tpu.memref_slice %arg3[%mul3A_0, %dma_wait3A_375, %dma_wait3A_376] : memref<4096x128x128xf32, #tpu.memory_space<hbm>> -> memref<1x128x128xf32, #tpu.memory_space<hbm>>
    %dma_wait3A_378 = tpu.memref_squeeze %dma_wait3A_377 : memref<1x128x128xf32, #tpu.memory_space<hbm>> -> memref<128x128xf32, #tpu.memory_space<hbm>>
    %dma_wait3A_379 = arith.constant 0 : i32
    %dma_wait3A_380 = arith.constant 0 : i32
    %dma_wait3A_381 = tpu.memref_slice %arg5[%dma_wait3A_374, %dma_wait3A_379, %dma_wait3A_380] : memref<64x128x128xf32, #tpu.memory_space<vmem_shared>> -> memref<1x128x128xf32, #tpu.memory_space<vmem_shared>>
    %dma_wait3A_382 = tpu.memref_squeeze %dma_wait3A_381 : memref<1x128x128xf32, #tpu.memory_space<vmem_shared>> -> memref<128x128xf32, #tpu.memory_space<vmem_shared>>
    tpu.wait_dma2 semaphore(%arg7 : memref<!tpu.dma_semaphore, #tpu.memory_space<semaphore_mem>>) src(%dma_wait3A_382 : memref<128x128xf32, #tpu.memory_space<vmem_shared>>) dst(%dma_wait3A_378 : memref<128x128xf32, #tpu.memory_space<hbm>>)
    %dma_wait3A_383 = arith.constant 0 : i32
    %dma_wait3A_384 = arith.constant 0 : i32
    %dma_wait3A_385 = arith.constant 0 : i32
    %dma_wait3A_386 = tpu.memref_slice %arg3[%mul3A_0, %dma_wait3A_384, %dma_wait3A_385] : memref<4096x128x128xf32, #tpu.memory_space<hbm>> -> memref<1x128x128xf32, #tpu.memory_space<hbm>>
    %dma_wait3A_387 = tpu.memref_squeeze %dma_wait3A_386 : memref<1x128x128xf32, #tpu.memory_space<hbm>> -> memref<128x128xf32, #tpu.memory_space<hbm>>
    %dma_wait3A_388 = arith.constant 0 : i32
    %dma_wait3A_389 = arith.constant 0 : i32
    %dma_wait3A_390 = tpu.memref_slice %arg5[%dma_wait3A_383, %dma_wait3A_388, %dma_wait3A_389] : memref<64x128x128xf32, #tpu.memory_space<vmem_shared>> -> memref<1x128x128xf32, #tpu.memory_space<vmem_shared>>
    %dma_wait3A_391 = tpu.memref_squeeze %dma_wait3A_390 : memref<1x128x128xf32, #tpu.memory_space<vmem_shared>> -> memref<128x128xf32, #tpu.memory_space<vmem_shared>>
    tpu.wait_dma2 semaphore(%arg7 : memref<!tpu.dma_semaphore, #tpu.memory_space<semaphore_mem>>) src(%dma_wait3A_391 : memref<128x128xf32, #tpu.memory_space<vmem_shared>>) dst(%dma_wait3A_387 : memref<128x128xf32, #tpu.memory_space<hbm>>)
    %dma_wait3A_392 = arith.constant 0 : i32
    %dma_wait3A_393 = arith.constant 0 : i32
    %dma_wait3A_394 = arith.constant 0 : i32
    %dma_wait3A_395 = tpu.memref_slice %arg3[%mul3A_0, %dma_wait3A_393, %dma_wait3A_394] : memref<4096x128x128xf32, #tpu.memory_space<hbm>> -> memref<1x128x128xf32, #tpu.memory_space<hbm>>
    %dma_wait3A_396 = tpu.memref_squeeze %dma_wait3A_395 : memref<1x128x128xf32, #tpu.memory_space<hbm>> -> memref<128x128xf32, #tpu.memory_space<hbm>>
    %dma_wait3A_397 = arith.constant 0 : i32
    %dma_wait3A_398 = arith.constant 0 : i32
    %dma_wait3A_399 = tpu.memref_slice %arg5[%dma_wait3A_392, %dma_wait3A_397, %dma_wait3A_398] : memref<64x128x128xf32, #tpu.memory_space<vmem_shared>> -> memref<1x128x128xf32, #tpu.memory_space<vmem_shared>>
    %dma_wait3A_400 = tpu.memref_squeeze %dma_wait3A_399 : memref<1x128x128xf32, #tpu.memory_space<vmem_shared>> -> memref<128x128xf32, #tpu.memory_space<vmem_shared>>
    tpu.wait_dma2 semaphore(%arg7 : memref<!tpu.dma_semaphore, #tpu.memory_space<semaphore_mem>>) src(%dma_wait3A_400 : memref<128x128xf32, #tpu.memory_space<vmem_shared>>) dst(%dma_wait3A_396 : memref<128x128xf32, #tpu.memory_space<hbm>>)
    %dma_wait3A_401 = arith.constant 0 : i32
    %dma_wait3A_402 = arith.constant 0 : i32
    %dma_wait3A_403 = arith.constant 0 : i32
    %dma_wait3A_404 = tpu.memref_slice %arg3[%mul3A_0, %dma_wait3A_402, %dma_wait3A_403] : memref<4096x128x128xf32, #tpu.memory_space<hbm>> -> memref<1x128x128xf32, #tpu.memory_space<hbm>>
    %dma_wait3A_405 = tpu.memref_squeeze %dma_wait3A_404 : memref<1x128x128xf32, #tpu.memory_space<hbm>> -> memref<128x128xf32, #tpu.memory_space<hbm>>
    %dma_wait3A_406 = arith.constant 0 : i32
    %dma_wait3A_407 = arith.constant 0 : i32
    %dma_wait3A_408 = tpu.memref_slice %arg5[%dma_wait3A_401, %dma_wait3A_406, %dma_wait3A_407] : memref<64x128x128xf32, #tpu.memory_space<vmem_shared>> -> memref<1x128x128xf32, #tpu.memory_space<vmem_shared>>
    %dma_wait3A_409 = tpu.memref_squeeze %dma_wait3A_408 : memref<1x128x128xf32, #tpu.memory_space<vmem_shared>> -> memref<128x128xf32, #tpu.memory_space<vmem_shared>>
    tpu.wait_dma2 semaphore(%arg7 : memref<!tpu.dma_semaphore, #tpu.memory_space<semaphore_mem>>) src(%dma_wait3A_409 : memref<128x128xf32, #tpu.memory_space<vmem_shared>>) dst(%dma_wait3A_405 : memref<128x128xf32, #tpu.memory_space<hbm>>)
    %dma_wait3A_410 = arith.constant 0 : i32
    %dma_wait3A_411 = arith.constant 0 : i32
    %dma_wait3A_412 = arith.constant 0 : i32
    %dma_wait3A_413 = tpu.memref_slice %arg3[%mul3A_0, %dma_wait3A_411, %dma_wait3A_412] : memref<4096x128x128xf32, #tpu.memory_space<hbm>> -> memref<1x128x128xf32, #tpu.memory_space<hbm>>
    %dma_wait3A_414 = tpu.memref_squeeze %dma_wait3A_413 : memref<1x128x128xf32, #tpu.memory_space<hbm>> -> memref<128x128xf32, #tpu.memory_space<hbm>>
    %dma_wait3A_415 = arith.constant 0 : i32
    %dma_wait3A_416 = arith.constant 0 : i32
    %dma_wait3A_417 = tpu.memref_slice %arg5[%dma_wait3A_410, %dma_wait3A_415, %dma_wait3A_416] : memref<64x128x128xf32, #tpu.memory_space<vmem_shared>> -> memref<1x128x128xf32, #tpu.memory_space<vmem_shared>>
    %dma_wait3A_418 = tpu.memref_squeeze %dma_wait3A_417 : memref<1x128x128xf32, #tpu.memory_space<vmem_shared>> -> memref<128x128xf32, #tpu.memory_space<vmem_shared>>
    tpu.wait_dma2 semaphore(%arg7 : memref<!tpu.dma_semaphore, #tpu.memory_space<semaphore_mem>>) src(%dma_wait3A_418 : memref<128x128xf32, #tpu.memory_space<vmem_shared>>) dst(%dma_wait3A_414 : memref<128x128xf32, #tpu.memory_space<hbm>>)
    %dma_wait3A_419 = arith.constant 0 : i32
    %dma_wait3A_420 = arith.constant 0 : i32
    %dma_wait3A_421 = arith.constant 0 : i32
    %dma_wait3A_422 = tpu.memref_slice %arg3[%mul3A_0, %dma_wait3A_420, %dma_wait3A_421] : memref<4096x128x128xf32, #tpu.memory_space<hbm>> -> memref<1x128x128xf32, #tpu.memory_space<hbm>>
    %dma_wait3A_423 = tpu.memref_squeeze %dma_wait3A_422 : memref<1x128x128xf32, #tpu.memory_space<hbm>> -> memref<128x128xf32, #tpu.memory_space<hbm>>
    %dma_wait3A_424 = arith.constant 0 : i32
    %dma_wait3A_425 = arith.constant 0 : i32
    %dma_wait3A_426 = tpu.memref_slice %arg5[%dma_wait3A_419, %dma_wait3A_424, %dma_wait3A_425] : memref<64x128x128xf32, #tpu.memory_space<vmem_shared>> -> memref<1x128x128xf32, #tpu.memory_space<vmem_shared>>
    %dma_wait3A_427 = tpu.memref_squeeze %dma_wait3A_426 : memref<1x128x128xf32, #tpu.memory_space<vmem_shared>> -> memref<128x128xf32, #tpu.memory_space<vmem_shared>>
    tpu.wait_dma2 semaphore(%arg7 : memref<!tpu.dma_semaphore, #tpu.memory_space<semaphore_mem>>) src(%dma_wait3A_427 : memref<128x128xf32, #tpu.memory_space<vmem_shared>>) dst(%dma_wait3A_423 : memref<128x128xf32, #tpu.memory_space<hbm>>)
    %dma_wait3A_428 = arith.constant 0 : i32
    %dma_wait3A_429 = arith.constant 0 : i32
    %dma_wait3A_430 = arith.constant 0 : i32
    %dma_wait3A_431 = tpu.memref_slice %arg3[%mul3A_0, %dma_wait3A_429, %dma_wait3A_430] : memref<4096x128x128xf32, #tpu.memory_space<hbm>> -> memref<1x128x128xf32, #tpu.memory_space<hbm>>
    %dma_wait3A_432 = tpu.memref_squeeze %dma_wait3A_431 : memref<1x128x128xf32, #tpu.memory_space<hbm>> -> memref<128x128xf32, #tpu.memory_space<hbm>>
    %dma_wait3A_433 = arith.constant 0 : i32
    %dma_wait3A_434 = arith.constant 0 : i32
    %dma_wait3A_435 = tpu.memref_slice %arg5[%dma_wait3A_428, %dma_wait3A_433, %dma_wait3A_434] : memref<64x128x128xf32, #tpu.memory_space<vmem_shared>> -> memref<1x128x128xf32, #tpu.memory_space<vmem_shared>>
    %dma_wait3A_436 = tpu.memref_squeeze %dma_wait3A_435 : memref<1x128x128xf32, #tpu.memory_space<vmem_shared>> -> memref<128x128xf32, #tpu.memory_space<vmem_shared>>
    tpu.wait_dma2 semaphore(%arg7 : memref<!tpu.dma_semaphore, #tpu.memory_space<semaphore_mem>>) src(%dma_wait3A_436 : memref<128x128xf32, #tpu.memory_space<vmem_shared>>) dst(%dma_wait3A_432 : memref<128x128xf32, #tpu.memory_space<hbm>>)
    %dma_wait3A_437 = arith.constant 0 : i32
    %dma_wait3A_438 = arith.constant 0 : i32
    %dma_wait3A_439 = arith.constant 0 : i32
    %dma_wait3A_440 = tpu.memref_slice %arg3[%mul3A_0, %dma_wait3A_438, %dma_wait3A_439] : memref<4096x128x128xf32, #tpu.memory_space<hbm>> -> memref<1x128x128xf32, #tpu.memory_space<hbm>>
    %dma_wait3A_441 = tpu.memref_squeeze %dma_wait3A_440 : memref<1x128x128xf32, #tpu.memory_space<hbm>> -> memref<128x128xf32, #tpu.memory_space<hbm>>
    %dma_wait3A_442 = arith.constant 0 : i32
    %dma_wait3A_443 = arith.constant 0 : i32
    %dma_wait3A_444 = tpu.memref_slice %arg5[%dma_wait3A_437, %dma_wait3A_442, %dma_wait3A_443] : memref<64x128x128xf32, #tpu.memory_space<vmem_shared>> -> memref<1x128x128xf32, #tpu.memory_space<vmem_shared>>
    %dma_wait3A_445 = tpu.memref_squeeze %dma_wait3A_444 : memref<1x128x128xf32, #tpu.memory_space<vmem_shared>> -> memref<128x128xf32, #tpu.memory_space<vmem_shared>>
    tpu.wait_dma2 semaphore(%arg7 : memref<!tpu.dma_semaphore, #tpu.memory_space<semaphore_mem>>) src(%dma_wait3A_445 : memref<128x128xf32, #tpu.memory_space<vmem_shared>>) dst(%dma_wait3A_441 : memref<128x128xf32, #tpu.memory_space<hbm>>)
    %dma_wait3A_446 = arith.constant 0 : i32
    %dma_wait3A_447 = arith.constant 0 : i32
    %dma_wait3A_448 = arith.constant 0 : i32
    %dma_wait3A_449 = tpu.memref_slice %arg3[%mul3A_0, %dma_wait3A_447, %dma_wait3A_448] : memref<4096x128x128xf32, #tpu.memory_space<hbm>> -> memref<1x128x128xf32, #tpu.memory_space<hbm>>
    %dma_wait3A_450 = tpu.memref_squeeze %dma_wait3A_449 : memref<1x128x128xf32, #tpu.memory_space<hbm>> -> memref<128x128xf32, #tpu.memory_space<hbm>>
    %dma_wait3A_451 = arith.constant 0 : i32
    %dma_wait3A_452 = arith.constant 0 : i32
    %dma_wait3A_453 = tpu.memref_slice %arg5[%dma_wait3A_446, %dma_wait3A_451, %dma_wait3A_452] : memref<64x128x128xf32, #tpu.memory_space<vmem_shared>> -> memref<1x128x128xf32, #tpu.memory_space<vmem_shared>>
    %dma_wait3A_454 = tpu.memref_squeeze %dma_wait3A_453 : memref<1x128x128xf32, #tpu.memory_space<vmem_shared>> -> memref<128x128xf32, #tpu.memory_space<vmem_shared>>
    tpu.wait_dma2 semaphore(%arg7 : memref<!tpu.dma_semaphore, #tpu.memory_space<semaphore_mem>>) src(%dma_wait3A_454 : memref<128x128xf32, #tpu.memory_space<vmem_shared>>) dst(%dma_wait3A_450 : memref<128x128xf32, #tpu.memory_space<hbm>>)
    %dma_wait3A_455 = arith.constant 0 : i32
    %dma_wait3A_456 = arith.constant 0 : i32
    %dma_wait3A_457 = arith.constant 0 : i32
    %dma_wait3A_458 = tpu.memref_slice %arg3[%mul3A_0, %dma_wait3A_456, %dma_wait3A_457] : memref<4096x128x128xf32, #tpu.memory_space<hbm>> -> memref<1x128x128xf32, #tpu.memory_space<hbm>>
    %dma_wait3A_459 = tpu.memref_squeeze %dma_wait3A_458 : memref<1x128x128xf32, #tpu.memory_space<hbm>> -> memref<128x128xf32, #tpu.memory_space<hbm>>
    %dma_wait3A_460 = arith.constant 0 : i32
    %dma_wait3A_461 = arith.constant 0 : i32
    %dma_wait3A_462 = tpu.memref_slice %arg5[%dma_wait3A_455, %dma_wait3A_460, %dma_wait3A_461] : memref<64x128x128xf32, #tpu.memory_space<vmem_shared>> -> memref<1x128x128xf32, #tpu.memory_space<vmem_shared>>
    %dma_wait3A_463 = tpu.memref_squeeze %dma_wait3A_462 : memref<1x128x128xf32, #tpu.memory_space<vmem_shared>> -> memref<128x128xf32, #tpu.memory_space<vmem_shared>>
    tpu.wait_dma2 semaphore(%arg7 : memref<!tpu.dma_semaphore, #tpu.memory_space<semaphore_mem>>) src(%dma_wait3A_463 : memref<128x128xf32, #tpu.memory_space<vmem_shared>>) dst(%dma_wait3A_459 : memref<128x128xf32, #tpu.memory_space<hbm>>)
    %dma_wait3A_464 = arith.constant 0 : i32
    %dma_wait3A_465 = arith.constant 0 : i32
    %dma_wait3A_466 = arith.constant 0 : i32
    %dma_wait3A_467 = tpu.memref_slice %arg3[%mul3A_0, %dma_wait3A_465, %dma_wait3A_466] : memref<4096x128x128xf32, #tpu.memory_space<hbm>> -> memref<1x128x128xf32, #tpu.memory_space<hbm>>
    %dma_wait3A_468 = tpu.memref_squeeze %dma_wait3A_467 : memref<1x128x128xf32, #tpu.memory_space<hbm>> -> memref<128x128xf32, #tpu.memory_space<hbm>>
    %dma_wait3A_469 = arith.constant 0 : i32
    %dma_wait3A_470 = arith.constant 0 : i32
    %dma_wait3A_471 = tpu.memref_slice %arg5[%dma_wait3A_464, %dma_wait3A_469, %dma_wait3A_470] : memref<64x128x128xf32, #tpu.memory_space<vmem_shared>> -> memref<1x128x128xf32, #tpu.memory_space<vmem_shared>>
    %dma_wait3A_472 = tpu.memref_squeeze %dma_wait3A_471 : memref<1x128x128xf32, #tpu.memory_space<vmem_shared>> -> memref<128x128xf32, #tpu.memory_space<vmem_shared>>
    tpu.wait_dma2 semaphore(%arg7 : memref<!tpu.dma_semaphore, #tpu.memory_space<semaphore_mem>>) src(%dma_wait3A_472 : memref<128x128xf32, #tpu.memory_space<vmem_shared>>) dst(%dma_wait3A_468 : memref<128x128xf32, #tpu.memory_space<hbm>>)
    %dma_wait3A_473 = arith.constant 0 : i32
    %dma_wait3A_474 = arith.constant 0 : i32
    %dma_wait3A_475 = arith.constant 0 : i32
    %dma_wait3A_476 = tpu.memref_slice %arg3[%mul3A_0, %dma_wait3A_474, %dma_wait3A_475] : memref<4096x128x128xf32, #tpu.memory_space<hbm>> -> memref<1x128x128xf32, #tpu.memory_space<hbm>>
    %dma_wait3A_477 = tpu.memref_squeeze %dma_wait3A_476 : memref<1x128x128xf32, #tpu.memory_space<hbm>> -> memref<128x128xf32, #tpu.memory_space<hbm>>
    %dma_wait3A_478 = arith.constant 0 : i32
    %dma_wait3A_479 = arith.constant 0 : i32
    %dma_wait3A_480 = tpu.memref_slice %arg5[%dma_wait3A_473, %dma_wait3A_478, %dma_wait3A_479] : memref<64x128x128xf32, #tpu.memory_space<vmem_shared>> -> memref<1x128x128xf32, #tpu.memory_space<vmem_shared>>
    %dma_wait3A_481 = tpu.memref_squeeze %dma_wait3A_480 : memref<1x128x128xf32, #tpu.memory_space<vmem_shared>> -> memref<128x128xf32, #tpu.memory_space<vmem_shared>>
    tpu.wait_dma2 semaphore(%arg7 : memref<!tpu.dma_semaphore, #tpu.memory_space<semaphore_mem>>) src(%dma_wait3A_481 : memref<128x128xf32, #tpu.memory_space<vmem_shared>>) dst(%dma_wait3A_477 : memref<128x128xf32, #tpu.memory_space<hbm>>)
    %dma_wait3A_482 = arith.constant 0 : i32
    %dma_wait3A_483 = arith.constant 0 : i32
    %dma_wait3A_484 = arith.constant 0 : i32
    %dma_wait3A_485 = tpu.memref_slice %arg3[%mul3A_0, %dma_wait3A_483, %dma_wait3A_484] : memref<4096x128x128xf32, #tpu.memory_space<hbm>> -> memref<1x128x128xf32, #tpu.memory_space<hbm>>
    %dma_wait3A_486 = tpu.memref_squeeze %dma_wait3A_485 : memref<1x128x128xf32, #tpu.memory_space<hbm>> -> memref<128x128xf32, #tpu.memory_space<hbm>>
    %dma_wait3A_487 = arith.constant 0 : i32
    %dma_wait3A_488 = arith.constant 0 : i32
    %dma_wait3A_489 = tpu.memref_slice %arg5[%dma_wait3A_482, %dma_wait3A_487, %dma_wait3A_488] : memref<64x128x128xf32, #tpu.memory_space<vmem_shared>> -> memref<1x128x128xf32, #tpu.memory_space<vmem_shared>>
    %dma_wait3A_490 = tpu.memref_squeeze %dma_wait3A_489 : memref<1x128x128xf32, #tpu.memory_space<vmem_shared>> -> memref<128x128xf32, #tpu.memory_space<vmem_shared>>
    tpu.wait_dma2 semaphore(%arg7 : memref<!tpu.dma_semaphore, #tpu.memory_space<semaphore_mem>>) src(%dma_wait3A_490 : memref<128x128xf32, #tpu.memory_space<vmem_shared>>) dst(%dma_wait3A_486 : memref<128x128xf32, #tpu.memory_space<hbm>>)
    %dma_wait3A_491 = arith.constant 0 : i32
    %dma_wait3A_492 = arith.constant 0 : i32
    %dma_wait3A_493 = arith.constant 0 : i32
    %dma_wait3A_494 = tpu.memref_slice %arg3[%mul3A_0, %dma_wait3A_492, %dma_wait3A_493] : memref<4096x128x128xf32, #tpu.memory_space<hbm>> -> memref<1x128x128xf32, #tpu.memory_space<hbm>>
    %dma_wait3A_495 = tpu.memref_squeeze %dma_wait3A_494 : memref<1x128x128xf32, #tpu.memory_space<hbm>> -> memref<128x128xf32, #tpu.memory_space<hbm>>
    %dma_wait3A_496 = arith.constant 0 : i32
    %dma_wait3A_497 = arith.constant 0 : i32
    %dma_wait3A_498 = tpu.memref_slice %arg5[%dma_wait3A_491, %dma_wait3A_496, %dma_wait3A_497] : memref<64x128x128xf32, #tpu.memory_space<vmem_shared>> -> memref<1x128x128xf32, #tpu.memory_space<vmem_shared>>
    %dma_wait3A_499 = tpu.memref_squeeze %dma_wait3A_498 : memref<1x128x128xf32, #tpu.memory_space<vmem_shared>> -> memref<128x128xf32, #tpu.memory_space<vmem_shared>>
    tpu.wait_dma2 semaphore(%arg7 : memref<!tpu.dma_semaphore, #tpu.memory_space<semaphore_mem>>) src(%dma_wait3A_499 : memref<128x128xf32, #tpu.memory_space<vmem_shared>>) dst(%dma_wait3A_495 : memref<128x128xf32, #tpu.memory_space<hbm>>)
    %dma_wait3A_500 = arith.constant 0 : i32
    %dma_wait3A_501 = arith.constant 0 : i32
    %dma_wait3A_502 = arith.constant 0 : i32
    %dma_wait3A_503 = tpu.memref_slice %arg3[%mul3A_0, %dma_wait3A_501, %dma_wait3A_502] : memref<4096x128x128xf32, #tpu.memory_space<hbm>> -> memref<1x128x128xf32, #tpu.memory_space<hbm>>
    %dma_wait3A_504 = tpu.memref_squeeze %dma_wait3A_503 : memref<1x128x128xf32, #tpu.memory_space<hbm>> -> memref<128x128xf32, #tpu.memory_space<hbm>>
    %dma_wait3A_505 = arith.constant 0 : i32
    %dma_wait3A_506 = arith.constant 0 : i32
    %dma_wait3A_507 = tpu.memref_slice %arg5[%dma_wait3A_500, %dma_wait3A_505, %dma_wait3A_506] : memref<64x128x128xf32, #tpu.memory_space<vmem_shared>> -> memref<1x128x128xf32, #tpu.memory_space<vmem_shared>>
    %dma_wait3A_508 = tpu.memref_squeeze %dma_wait3A_507 : memref<1x128x128xf32, #tpu.memory_space<vmem_shared>> -> memref<128x128xf32, #tpu.memory_space<vmem_shared>>
    tpu.wait_dma2 semaphore(%arg7 : memref<!tpu.dma_semaphore, #tpu.memory_space<semaphore_mem>>) src(%dma_wait3A_508 : memref<128x128xf32, #tpu.memory_space<vmem_shared>>) dst(%dma_wait3A_504 : memref<128x128xf32, #tpu.memory_space<hbm>>)
    %dma_wait3A_509 = arith.constant 0 : i32
    %dma_wait3A_510 = arith.constant 0 : i32
    %dma_wait3A_511 = arith.constant 0 : i32
    %dma_wait3A_512 = tpu.memref_slice %arg3[%mul3A_0, %dma_wait3A_510, %dma_wait3A_511] : memref<4096x128x128xf32, #tpu.memory_space<hbm>> -> memref<1x128x128xf32, #tpu.memory_space<hbm>>
    %dma_wait3A_513 = tpu.memref_squeeze %dma_wait3A_512 : memref<1x128x128xf32, #tpu.memory_space<hbm>> -> memref<128x128xf32, #tpu.memory_space<hbm>>
    %dma_wait3A_514 = arith.constant 0 : i32
    %dma_wait3A_515 = arith.constant 0 : i32
    %dma_wait3A_516 = tpu.memref_slice %arg5[%dma_wait3A_509, %dma_wait3A_514, %dma_wait3A_515] : memref<64x128x128xf32, #tpu.memory_space<vmem_shared>> -> memref<1x128x128xf32, #tpu.memory_space<vmem_shared>>
    %dma_wait3A_517 = tpu.memref_squeeze %dma_wait3A_516 : memref<1x128x128xf32, #tpu.memory_space<vmem_shared>> -> memref<128x128xf32, #tpu.memory_space<vmem_shared>>
    tpu.wait_dma2 semaphore(%arg7 : memref<!tpu.dma_semaphore, #tpu.memory_space<semaphore_mem>>) src(%dma_wait3A_517 : memref<128x128xf32, #tpu.memory_space<vmem_shared>>) dst(%dma_wait3A_513 : memref<128x128xf32, #tpu.memory_space<hbm>>)
    %dma_wait3A_518 = arith.constant 0 : i32
    %dma_wait3A_519 = arith.constant 0 : i32
    %dma_wait3A_520 = arith.constant 0 : i32
    %dma_wait3A_521 = tpu.memref_slice %arg3[%mul3A_0, %dma_wait3A_519, %dma_wait3A_520] : memref<4096x128x128xf32, #tpu.memory_space<hbm>> -> memref<1x128x128xf32, #tpu.memory_space<hbm>>
    %dma_wait3A_522 = tpu.memref_squeeze %dma_wait3A_521 : memref<1x128x128xf32, #tpu.memory_space<hbm>> -> memref<128x128xf32, #tpu.memory_space<hbm>>
    %dma_wait3A_523 = arith.constant 0 : i32
    %dma_wait3A_524 = arith.constant 0 : i32
    %dma_wait3A_525 = tpu.memref_slice %arg5[%dma_wait3A_518, %dma_wait3A_523, %dma_wait3A_524] : memref<64x128x128xf32, #tpu.memory_space<vmem_shared>> -> memref<1x128x128xf32, #tpu.memory_space<vmem_shared>>
    %dma_wait3A_526 = tpu.memref_squeeze %dma_wait3A_525 : memref<1x128x128xf32, #tpu.memory_space<vmem_shared>> -> memref<128x128xf32, #tpu.memory_space<vmem_shared>>
    tpu.wait_dma2 semaphore(%arg7 : memref<!tpu.dma_semaphore, #tpu.memory_space<semaphore_mem>>) src(%dma_wait3A_526 : memref<128x128xf32, #tpu.memory_space<vmem_shared>>) dst(%dma_wait3A_522 : memref<128x128xf32, #tpu.memory_space<hbm>>)
    %dma_wait3A_527 = arith.constant 0 : i32
    %dma_wait3A_528 = arith.constant 0 : i32
    %dma_wait3A_529 = arith.constant 0 : i32
    %dma_wait3A_530 = tpu.memref_slice %arg3[%mul3A_0, %dma_wait3A_528, %dma_wait3A_529] : memref<4096x128x128xf32, #tpu.memory_space<hbm>> -> memref<1x128x128xf32, #tpu.memory_space<hbm>>
    %dma_wait3A_531 = tpu.memref_squeeze %dma_wait3A_530 : memref<1x128x128xf32, #tpu.memory_space<hbm>> -> memref<128x128xf32, #tpu.memory_space<hbm>>
    %dma_wait3A_532 = arith.constant 0 : i32
    %dma_wait3A_533 = arith.constant 0 : i32
    %dma_wait3A_534 = tpu.memref_slice %arg5[%dma_wait3A_527, %dma_wait3A_532, %dma_wait3A_533] : memref<64x128x128xf32, #tpu.memory_space<vmem_shared>> -> memref<1x128x128xf32, #tpu.memory_space<vmem_shared>>
    %dma_wait3A_535 = tpu.memref_squeeze %dma_wait3A_534 : memref<1x128x128xf32, #tpu.memory_space<vmem_shared>> -> memref<128x128xf32, #tpu.memory_space<vmem_shared>>
    tpu.wait_dma2 semaphore(%arg7 : memref<!tpu.dma_semaphore, #tpu.memory_space<semaphore_mem>>) src(%dma_wait3A_535 : memref<128x128xf32, #tpu.memory_space<vmem_shared>>) dst(%dma_wait3A_531 : memref<128x128xf32, #tpu.memory_space<hbm>>)
    %dma_wait3A_536 = arith.constant 0 : i32
    %dma_wait3A_537 = arith.constant 0 : i32
    %dma_wait3A_538 = arith.constant 0 : i32
    %dma_wait3A_539 = tpu.memref_slice %arg3[%mul3A_0, %dma_wait3A_537, %dma_wait3A_538] : memref<4096x128x128xf32, #tpu.memory_space<hbm>> -> memref<1x128x128xf32, #tpu.memory_space<hbm>>
    %dma_wait3A_540 = tpu.memref_squeeze %dma_wait3A_539 : memref<1x128x128xf32, #tpu.memory_space<hbm>> -> memref<128x128xf32, #tpu.memory_space<hbm>>
    %dma_wait3A_541 = arith.constant 0 : i32
    %dma_wait3A_542 = arith.constant 0 : i32
    %dma_wait3A_543 = tpu.memref_slice %arg5[%dma_wait3A_536, %dma_wait3A_541, %dma_wait3A_542] : memref<64x128x128xf32, #tpu.memory_space<vmem_shared>> -> memref<1x128x128xf32, #tpu.memory_space<vmem_shared>>
    %dma_wait3A_544 = tpu.memref_squeeze %dma_wait3A_543 : memref<1x128x128xf32, #tpu.memory_space<vmem_shared>> -> memref<128x128xf32, #tpu.memory_space<vmem_shared>>
    tpu.wait_dma2 semaphore(%arg7 : memref<!tpu.dma_semaphore, #tpu.memory_space<semaphore_mem>>) src(%dma_wait3A_544 : memref<128x128xf32, #tpu.memory_space<vmem_shared>>) dst(%dma_wait3A_540 : memref<128x128xf32, #tpu.memory_space<hbm>>)
    %dma_wait3A_545 = arith.constant 0 : i32
    %dma_wait3A_546 = arith.constant 0 : i32
    %dma_wait3A_547 = arith.constant 0 : i32
    %dma_wait3A_548 = tpu.memref_slice %arg3[%mul3A_0, %dma_wait3A_546, %dma_wait3A_547] : memref<4096x128x128xf32, #tpu.memory_space<hbm>> -> memref<1x128x128xf32, #tpu.memory_space<hbm>>
    %dma_wait3A_549 = tpu.memref_squeeze %dma_wait3A_548 : memref<1x128x128xf32, #tpu.memory_space<hbm>> -> memref<128x128xf32, #tpu.memory_space<hbm>>
    %dma_wait3A_550 = arith.constant 0 : i32
    %dma_wait3A_551 = arith.constant 0 : i32
    %dma_wait3A_552 = tpu.memref_slice %arg5[%dma_wait3A_545, %dma_wait3A_550, %dma_wait3A_551] : memref<64x128x128xf32, #tpu.memory_space<vmem_shared>> -> memref<1x128x128xf32, #tpu.memory_space<vmem_shared>>
    %dma_wait3A_553 = tpu.memref_squeeze %dma_wait3A_552 : memref<1x128x128xf32, #tpu.memory_space<vmem_shared>> -> memref<128x128xf32, #tpu.memory_space<vmem_shared>>
    tpu.wait_dma2 semaphore(%arg7 : memref<!tpu.dma_semaphore, #tpu.memory_space<semaphore_mem>>) src(%dma_wait3A_553 : memref<128x128xf32, #tpu.memory_space<vmem_shared>>) dst(%dma_wait3A_549 : memref<128x128xf32, #tpu.memory_space<hbm>>)
    %dma_wait3A_554 = arith.constant 0 : i32
    %dma_wait3A_555 = arith.constant 0 : i32
    %dma_wait3A_556 = arith.constant 0 : i32
    %dma_wait3A_557 = tpu.memref_slice %arg3[%mul3A_0, %dma_wait3A_555, %dma_wait3A_556] : memref<4096x128x128xf32, #tpu.memory_space<hbm>> -> memref<1x128x128xf32, #tpu.memory_space<hbm>>
    %dma_wait3A_558 = tpu.memref_squeeze %dma_wait3A_557 : memref<1x128x128xf32, #tpu.memory_space<hbm>> -> memref<128x128xf32, #tpu.memory_space<hbm>>
    %dma_wait3A_559 = arith.constant 0 : i32
    %dma_wait3A_560 = arith.constant 0 : i32
    %dma_wait3A_561 = tpu.memref_slice %arg5[%dma_wait3A_554, %dma_wait3A_559, %dma_wait3A_560] : memref<64x128x128xf32, #tpu.memory_space<vmem_shared>> -> memref<1x128x128xf32, #tpu.memory_space<vmem_shared>>
    %dma_wait3A_562 = tpu.memref_squeeze %dma_wait3A_561 : memref<1x128x128xf32, #tpu.memory_space<vmem_shared>> -> memref<128x128xf32, #tpu.memory_space<vmem_shared>>
    tpu.wait_dma2 semaphore(%arg7 : memref<!tpu.dma_semaphore, #tpu.memory_space<semaphore_mem>>) src(%dma_wait3A_562 : memref<128x128xf32, #tpu.memory_space<vmem_shared>>) dst(%dma_wait3A_558 : memref<128x128xf32, #tpu.memory_space<hbm>>)
    %dma_wait3A_563 = arith.constant 0 : i32
    %dma_wait3A_564 = arith.constant 0 : i32
    %dma_wait3A_565 = arith.constant 0 : i32
    %dma_wait3A_566 = tpu.memref_slice %arg3[%mul3A_0, %dma_wait3A_564, %dma_wait3A_565] : memref<4096x128x128xf32, #tpu.memory_space<hbm>> -> memref<1x128x128xf32, #tpu.memory_space<hbm>>
    %dma_wait3A_567 = tpu.memref_squeeze %dma_wait3A_566 : memref<1x128x128xf32, #tpu.memory_space<hbm>> -> memref<128x128xf32, #tpu.memory_space<hbm>>
    %dma_wait3A_568 = arith.constant 0 : i32
    %dma_wait3A_569 = arith.constant 0 : i32
    %dma_wait3A_570 = tpu.memref_slice %arg5[%dma_wait3A_563, %dma_wait3A_568, %dma_wait3A_569] : memref<64x128x128xf32, #tpu.memory_space<vmem_shared>> -> memref<1x128x128xf32, #tpu.memory_space<vmem_shared>>
    %dma_wait3A_571 = tpu.memref_squeeze %dma_wait3A_570 : memref<1x128x128xf32, #tpu.memory_space<vmem_shared>> -> memref<128x128xf32, #tpu.memory_space<vmem_shared>>
    tpu.wait_dma2 semaphore(%arg7 : memref<!tpu.dma_semaphore, #tpu.memory_space<semaphore_mem>>) src(%dma_wait3A_571 : memref<128x128xf32, #tpu.memory_space<vmem_shared>>) dst(%dma_wait3A_567 : memref<128x128xf32, #tpu.memory_space<hbm>>)
    %dma_wait3A_572 = arith.constant 0 : i32
    %dma_wait3A_573 = arith.constant 0 : i32
    %dma_wait3A_574 = arith.constant 0 : i32
    %dma_wait3A_575 = tpu.memref_slice %arg3[%mul3A_0, %dma_wait3A_573, %dma_wait3A_574] : memref<4096x128x128xf32, #tpu.memory_space<hbm>> -> memref<1x128x128xf32, #tpu.memory_space<hbm>>
    %dma_wait3A_576 = tpu.memref_squeeze %dma_wait3A_575 : memref<1x128x128xf32, #tpu.memory_space<hbm>> -> memref<128x128xf32, #tpu.memory_space<hbm>>
    %dma_wait3A_577 = arith.constant 0 : i32
    %dma_wait3A_578 = arith.constant 0 : i32
    %dma_wait3A_579 = tpu.memref_slice %arg5[%dma_wait3A_572, %dma_wait3A_577, %dma_wait3A_578] : memref<64x128x128xf32, #tpu.memory_space<vmem_shared>> -> memref<1x128x128xf32, #tpu.memory_space<vmem_shared>>
    %dma_wait3A_580 = tpu.memref_squeeze %dma_wait3A_579 : memref<1x128x128xf32, #tpu.memory_space<vmem_shared>> -> memref<128x128xf32, #tpu.memory_space<vmem_shared>>
    tpu.wait_dma2 semaphore(%arg7 : memref<!tpu.dma_semaphore, #tpu.memory_space<semaphore_mem>>) src(%dma_wait3A_580 : memref<128x128xf32, #tpu.memory_space<vmem_shared>>) dst(%dma_wait3A_576 : memref<128x128xf32, #tpu.memory_space<hbm>>)
    return
  }
}

</mosaic_0001>

<sc_bundles>
// kernel: _sc_gather.3.cloned.1.call-start
scs
__scs_entry_jumppad:
0x0: {  	(pc) =	sbr.rel $0x88, $3  }
0x1: {  	(tag) =	ssettag $0x0;
	lr =	simm.s32 $0x1  }
0x2: {  	[smem:$0x3F9F] =	sst lr;
	_ =	strace $0xD0000000  }
0x3: {  	_ = 	snop  }
0x4: {  	_ = 	snop  }
0x5: {  	_ = 	snop  }
0x6: {  	_ = 	snop  }
0x7: {  	_ = 	snop  }
__scs_overlays_trampoline_lowered:
0x8: {  	[smem:$0x3FAE] =	sst s0  }
0x9: {  	[smem:$0x3FAF] =	sst s1  }
0xa: {  	[smem:$0x3FB0] =	sst s2  }
0xb: {  	[smem:$0x3FB1] =	sst s3  }
0xc: {  	[smem:$0x3FB2] =	sst s4  }
0xd: {  	[smem:$0x3FB3] =	sst s5  }
0xe: {  	[smem:$0x3FB4] =	sst s6  }
0xf: {  	[smem:$0x3FB5] =	sst s7  }
0x10: {  	[smem:$0x3FB6] =	sst s8  }
0x11: {  	[smem:$0x3FB7] =	sst s9;
	s0 =	simm.s32 @!p0 $0x0  }
0x12: {  	s1 =	sld [smem:$0x3F9D];
	s0 =	simm.s32 @p0 $0x1  }
0x13: {  	[smem:$0x3FB8] =	sst s0;
	s0 =	simm.s32 @!p1 $0x0  }
0x14: {  	s2 =	sld [smem:$0x3F9C];
	s0 =	simm.s32 @p1 $0x1  }
0x15: {  	[smem:$0x3FB9] =	sst s0;
	s0 =	simm.s32 @!p2 $0x0  }
0x16: {  	s3 =	sld [smem:$0x3FDB];
	s0 =	simm.s32 @p2 $0x1  }
0x17: {  	s4 =	simm.s32 $0x1BF5;
	[smem:$0x3FBB] =	sst s0  }
0x18: {  	s0 =	sld [smem:$0x3F9E];
	_ =	swait.ge [sflag:s4], $0x0  }
0x19: {  	s7 =	sld [smem:$0x3F9F]  }
0x1a: {  	s8 =	sadd.s32 $0xFFFFE003, lr  }
0x1b: {  	s9 =	sadd.s32 $0xFFFFFEF7, lr;
	s5 =	simm.s32 $0xFFFFFFFF;
	p2 =	slt.u32 s8, $0xFFFFF086  }
0x1c: {  	p1 =	slt.u32 s9, $0xF7A;
	s5 =	simm.s32 @!p2 $0x0  }
0x1d: {  	s5 =	simm.s32 @p1 $0x1;
	p0 =	seq.s32 s7, s2  }
0x1e: {  	s7 =	smul.u32 @!p0 $0xF7A, s2;
	p2 =	seq.s32 @!p0 s5, $0x0  }
0x1f: {  	s9 =	smul.u32 $0xF7A, s1;
	s8 =	simm.s32 @!p0 $0x1BF5;
	p2 =	por !p2, p0  }
0x20: {  	[sflag:s8] =	ssyncset.s32 @!p0 $0xFFFFF086;
	s6 =	sadd.s32 @!p0 s3, s7;
	s7 =	simm.s32 @!p0 $0x108  }
0x21: {  	s3 =	sadd.s32 s3, s9;
	s6 =	sadd.s32 @!p0 $0x88, s6;
	s7 =	simm.s32 @p2 $0x1082  }
0x22: {  	[simem:s7], [sflag:s8] =	dma.local @!p0 [hbm:s6], $0xF7A  }
0x23: {  	s9 =	sor.u32 $0xD0000000, s2;
	s6 =	simm.s32 $0x108;
	_ =	swait.ge @!p0 [sflag:s8], $0x0  }
0x24: {  	s3 =	sadd.s32 $0x88, s3;
	s6 =	simm.s32 @!p1 $0x1082;
	[sflag:s4] =	ssyncset.s32 $0xFFFFF086  }
0x25: {  	[simem:s6], [sflag:s4] =	dma.local [hbm:s3], $0xF7A  }
0x26: {  	[smem:$0x3F9F] =	sst s1;
	(tag) =	ssettag s2;
	_ =	strace s9  }
0x27: {  	s1 =	sld [smem:$0x3FAF]  }
0x28: {  	s2 =	sld [smem:$0x3FB0]  }
0x29: {  	s4 =	sld [smem:$0x3FB2]  }
0x2a: {  	p0 =	seq.s32 s5, $0x0;
	s5 =	sld [smem:$0x3FB3]  }
0x2b: {  	s6 =	sld [smem:$0x3FB4]  }
0x2c: {  	s7 =	sld [smem:$0x3FB5]  }
0x2d: {  	s3 =	simm.s32 $0x108;
	s8 =	sld [smem:$0x3FB6]  }
0x2e: {  	s3 =	simm.s32 @!p0 $0x1082;
	s9 =	sld [smem:$0x3FB7]  }
0x2f: {  	lr =	sadd.s32 s0, s3;
	s0 =	sld [smem:$0x3FAE]  }
0x30: {  	s3 =	sld [smem:$0x3FB1]  }
0x31: {  	[smem:$0x3FBA] =	sst s10  }
0x32: {  	s10 =	sld [smem:$0x3FB8];
	_ =	sdelay $0x3  }
0x33: {  	p0 =	seq.s32 s10, $0x1;
	s10 =	sld [smem:$0x3FBA];
	_ =	sdelay $0x3  }
0x34: {  	[smem:$0x3FBA] =	sst s10  }
0x35: {  	s10 =	sld [smem:$0x3FB9];
	_ =	sdelay $0x3  }
0x36: {  	p1 =	seq.s32 s10, $0x1;
	s10 =	sld [smem:$0x3FBA];
	_ =	sdelay $0x3  }
0x37: {  	[smem:$0x3FBA] =	sst s10  }
0x38: {  	s10 =	sld [smem:$0x3FBB]  }
0x39: {  	_ = 	snop;
	(pc) =	sbr.ind lr, $3  }
0x3a: {  	_ = 	snop  }
0x3b: {  	_ = 	snop  }
0x3c: {  	p2 =	seq.s32 s10, $0x1;
	s10 =	sld [smem:$0x3FBA]  }
0x3d: {  	_ =	shalt  }
0x3e: {  	_ =	shalt  }
0x3f: {  	_ =	shalt  }
0x40: {  	_ =	shalt  }
0x41: {  	_ =	shalt  }
0x42: {  	_ =	shalt  }
0x43: {  	_ =	shalt  }
0x44: {  	_ =	shalt  }
0x45: {  	_ =	shalt  }
0x46: {  	_ =	shalt  }
0x47: {  	_ =	shalt  }
0x48: {  	_ =	shalt  }
0x49: {  	_ =	shalt  }
0x4a: {  	_ =	shalt  }
0x4b: {  	_ =	shalt  }
0x4c: {  	_ =	shalt  }
0x4d: {  	_ =	shalt  }
0x4e: {  	_ =	shalt  }
0x4f: {  	_ =	shalt  }
0x50: {  	_ =	shalt  }
0x51: {  	_ =	shalt  }
0x52: {  	_ =	shalt  }
0x53: {  	_ =	shalt  }
0x54: {  	_ =	shalt  }
0x55: {  	_ =	shalt  }
0x56: {  	_ =	shalt  }
0x57: {  	_ =	shalt  }
0x58: {  	_ =	shalt  }
0x59: {  	_ =	shalt  }
0x5a: {  	_ =	shalt  }
0x5b: {  	_ =	shalt  }
0x5c: {  	_ =	shalt  }
0x5d: {  	_ =	shalt  }
0x5e: {  	_ =	shalt  }
0x5f: {  	_ =	shalt  }
0x60: {  	_ =	shalt  }
0x61: {  	_ =	shalt  }
0x62: {  	_ =	shalt  }
0x63: {  	_ =	shalt  }
0x64: {  	_ =	shalt  }
0x65: {  	_ =	shalt  }
0x66: {  	_ =	shalt  }
0x67: {  	_ =	shalt  }
0x68: {  	_ =	shalt  }
0x69: {  	_ =	shalt  }
0x6a: {  	_ =	shalt  }
0x6b: {  	_ =	shalt  }
0x6c: {  	_ =	shalt  }
0x6d: {  	_ =	shalt  }
0x6e: {  	_ =	shalt  }
0x6f: {  	_ =	shalt  }
0x70: {  	_ =	shalt  }
0x71: {  	_ =	shalt  }
0x72: {  	_ =	shalt  }
0x73: {  	_ =	shalt  }
0x74: {  	_ =	shalt  }
0x75: {  	_ =	shalt  }
0x76: {  	_ =	shalt  }
0x77: {  	_ =	shalt  }
0x78: {  	_ =	shalt  }
0x79: {  	_ =	shalt  }
0x7a: {  	_ =	shalt  }
0x7b: {  	_ =	shalt  }
0x7c: {  	_ =	shalt  }
0x7d: {  	_ =	shalt  }
0x7e: {  	_ =	shalt  }
0x7f: {  	_ =	shalt  }
0x80: {  	_ =	shalt  }
0x81: {  	_ =	shalt  }
0x82: {  	_ =	shalt  }
0x83: {  	_ =	shalt  }
0x84: {  	_ =	shalt  }
0x85: {  	_ =	shalt  }
0x86: {  	_ =	shalt  }
0x87: {  	_ =	shalt  }
.Lfunc_end0:
.L_simem_size_0:
called_computation_lowered:
.L_overlay_start_0:
0x88: {  	s2 =	sld [smem:$0x3FD9]  }
0x89: {  	s3 =	sld [smem:$0x3FFE];
	_ =	sdelay $0x1  }
0x8a: {  	s1 =	srdreg.scid  }
0x8b: {  	s0 =	sand.u32 $0x1, s1  }
0x8c: {  	s28 =	sshll.u32 s0, $0xA;
	s2 =	sadd.s32 s3, s2  }
0x8d: {  	s2 =	sadd.s32 s2, s28  }
0x8e: {  	s3 =	simm.s32 $0x0;
	[smem:$0x3FC6] =	sst s2  }
0x8f: {  	[smem:$0xF] =	sst s3  }
0x90: {  	s4 =	sld [smem:$0x3FC9]  }
0x91: {  	s2 =	sld [smem:$0x3FC8]  }
0x92: {  	s5 =	sld [smem:$0x3FD0];
	(tm) =	ssettm $0x1  }
0x93: {  	s6 =	sld [smem:$0x3FFB];
	_ =	sdelay $0x3  }
0x94: {  	_ =	strace s6  }
0x95: {  	s6 =	sld [smem:$0x3FFC];
	_ =	sdelay $0x3  }
0x96: {  	_ =	strace s6  }
0x97: {  	s6 =	sld [smem:$0x3FFD];
	_ =	sdelay $0x3  }
0x98: {  	_ =	strace s6  }
0x99: {  	s29 =	simm.s32 $0x1B8B;
	_ =	strace $0x8FFFFFFF  }
0x9a: {  	_ =	swait.ge [sflag:s29], $0x1  }
0x9b: {  	[sflag:s29] =	ssyncset.done $0x0  }
0x9c: {  	s30 =	simm.s32 $0x1B8E;
	[sflag:s29] =	ssyncadd.s32 $0xFFFFFFFF  }
0x9d: {  	[smem:$0x3FD2] =	sst s30  }
0x9e: {  	s31 =	simm.s32 $0x9;
	s8 =	simm.s32 $0xA;
	_ =	strace $0x80000046  }
0x9f: {  	[spmem:s3], [sflag:s31] =	dma.local [hbm:s4], $0x20000  }
0xa0: {  	s9 =	simm.s32 $0x0;
	s7 =	sshll.u32 s0, $0x16;
	_ =	swait.ge [sflag:s31], $0x20000  }
0xa1: {  	s5 =	sadd.s32 s7, s5;
	s7 =	simm.s32 $0x10;
	[sflag:s31] =	ssyncset.done $0x0  }
0xa2: {  	s6 =	simm.s32 $0xB;
	s4 =	sshll.u32 s0, $0xB;
	[sflag:s31] =	ssyncadd.s32 $0xFFFE0000  }
.LBB1_1:
0xa3: {  	s10 =	sshll.u32 s9, $0x7  }
0xa4: {  	s10 =	sor.u32 s4, s10  }
0xa5: {  	s10 =	sshrl.u32 s10, $0x3  }
0xa6: {  	s10 =	sadd.s32 s2, s10  }
0xa7: {  	[smem:s7], [sflag:s6] =	dma.local [hbm:s10], $0x10  }
0xa8: {  	_ =	swait.ge [sflag:s6], $0x10  }
0xa9: {  	[sflag:s6] =	ssyncset.done $0x0  }
0xaa: {  	[sflag:s6] =	ssyncadd.s32 $0xFFFFFFF0  }
0xab: {  	s31 =	sld [smem:$0x10];
	_ =	sdelay $0x3  }
0xac: {  	s10 =	sshll.u32 s31, $0x10  }
0xad: {  	p0 =	slt.u32 s3, $0x40;
	s12 =	simm.s32 $0x4;
	s10 =	sshra.s32 s10, $0x2  }
0xae: {  	s13 =	simm.s32 $0x8;
	s14 =	simm.s32 @!p0 $0xA;
	s10 =	sshrl.u32 s10, $0x3  }
0xaf: {  	[hbm:s5], [sflag:s8] =	dma.local [spmem:s10], $0x800  }
0xb0: {  	s11 =	sadd.s32 $0x1, s3;
	s10 =	sadd.s32 $0x800, s5;
	_ =	swait.ge @!p0 [sflag:s14], $0x800  }
.LBB1_2:
0xb1: {  	s15 =	sshra.s32 s12, $0x2  }
0xb2: {  	[sflag:s14] =	ssyncset.done @!p0 $0x0;
	s12 =	smov.u32 s13;
	s13 =	sadd.s32 $0x4, s13  }
0xb3: {  	p1 =	sne.s32 s13, $0x200;
	[sflag:s14] =	ssyncadd.s32 @!p0 $0xFFFFF800  }
0xb4: {  	s14 =	sld [smem:s15+$0x10];
	_ =	sdelay $0x3  }
0xb5: {  	s14 =	sshll.u32 s14, $0x10  }
.Ltmp0:
0xb6: {  	p0 =	slt.u32 s11, $0x40;
	s14 =	sshra.s32 s14, $0x2;
	(pc) =	sbr.rel @p1 .LBB1_2-.Ltmp0, $3  }
0xb7: {  	s15 =	sshrl.u32 s14, $0x3;
	s14 =	simm.s32 @!p0 $0xA  }
0xb8: {  	[hbm:s10], [sflag:s8] =	dma.local [spmem:s15], $0x800  }
0xb9: {  	s11 =	sadd.s32 $0x1, s11;
	s10 =	sadd.s32 $0x800, s10;
	_ =	swait.ge @!p0 [sflag:s14], $0x800  }
0xba: {  	[sflag:s14] =	ssyncset.done @!p0 $0x0  }
0xbb: {  	s12 =	sshra.s32 s12, $0x2;
	[sflag:s14] =	ssyncadd.s32 @!p0 $0xFFFFF800  }
0xbc: {  	s12 =	sld [smem:s12+$0x10];
	_ =	sdelay $0x3  }
0xbd: {  	s12 =	sshll.u32 s12, $0x10  }
0xbe: {  	s9 =	sadd.s32 $0x1, s9;
	s12 =	sshra.s32 s12, $0x2  }
0xbf: {  	p0 =	slt.u32 s11, $0x40;
	p1 =	sne.s32 s9, $0x10;
	s31 =	sshrl.u32 s12, $0x3  }
0xc0: {  	[hbm:s10], [sflag:s8] =	dma.local [spmem:s31], $0x800  }
.Ltmp1:
0xc1: {  	s12 =	simm.s32 @!p0 $0xA;
	(pc) =	sbr.rel @p1 .LBB1_1-.Ltmp1, $3  }
0xc2: {  	_ =	swait.ge @!p0 [sflag:s12], $0x800  }
0xc3: {  	[sflag:s12] =	ssyncset.done @!p0 $0x0  }
0xc4: {  	s5 =	sadd.s32 $0x40000, s5;
	s3 =	sadd.s32 $0x80, s3;
	[sflag:s12] =	ssyncadd.s32 @!p0 $0xFFFFF800  }
0xc5: {  	_ = 	snop  }
0xc6: {  	s2 =	simm.s32 $0xA  }
0xc7: {  	_ =	swait.ge [sflag:s2], $0x800  }
0xc8: {  	[sflag:s2] =	ssyncset.done $0x0  }
0xc9: {  	[sflag:s2] =	ssyncadd.s32 $0xFFFFF800;
	_ =	sdelay $0x2  }
0xca: {  	_ =	swait.ge [sflag:s2], $0x800  }
0xcb: {  	[sflag:s2] =	ssyncset.done $0x0  }
0xcc: {  	[sflag:s2] =	ssyncadd.s32 $0xFFFFF800;
	_ =	sdelay $0x2  }
0xcd: {  	_ =	swait.ge [sflag:s2], $0x800  }
0xce: {  	[sflag:s2] =	ssyncset.done $0x0  }
0xcf: {  	[sflag:s2] =	ssyncadd.s32 $0xFFFFF800;
	_ =	sdelay $0x2  }
0xd0: {  	_ =	swait.ge [sflag:s2], $0x800  }
0xd1: {  	[sflag:s2] =	ssyncset.done $0x0  }
0xd2: {  	[sflag:s2] =	ssyncadd.s32 $0xFFFFF800;
	_ =	sdelay $0x2  }
0xd3: {  	_ =	swait.ge [sflag:s2], $0x800  }
0xd4: {  	[sflag:s2] =	ssyncset.done $0x0  }
0xd5: {  	[sflag:s2] =	ssyncadd.s32 $0xFFFFF800;
	_ =	sdelay $0x2  }
0xd6: {  	_ =	swait.ge [sflag:s2], $0x800  }
0xd7: {  	[sflag:s2] =	ssyncset.done $0x0  }
0xd8: {  	[sflag:s2] =	ssyncadd.s32 $0xFFFFF800;
	_ =	sdelay $0x2  }
0xd9: {  	_ =	swait.ge [sflag:s2], $0x800  }
0xda: {  	[sflag:s2] =	ssyncset.done $0x0  }
0xdb: {  	[sflag:s2] =	ssyncadd.s32 $0xFFFFF800;
	_ =	sdelay $0x2  }
0xdc: {  	_ =	swait.ge [sflag:s2], $0x800  }
0xdd: {  	[sflag:s2] =	ssyncset.done $0x0  }
0xde: {  	[sflag:s2] =	ssyncadd.s32 $0xFFFFF800;
	_ =	sdelay $0x2  }
0xdf: {  	_ =	swait.ge [sflag:s2], $0x800  }
0xe0: {  	[sflag:s2] =	ssyncset.done $0x0  }
0xe1: {  	[sflag:s2] =	ssyncadd.s32 $0xFFFFF800;
	_ =	sdelay $0x2  }
0xe2: {  	_ =	swait.ge [sflag:s2], $0x800  }
0xe3: {  	[sflag:s2] =	ssyncset.done $0x0  }
0xe4: {  	[sflag:s2] =	ssyncadd.s32 $0xFFFFF800;
	_ =	sdelay $0x2  }
0xe5: {  	_ =	swait.ge [sflag:s2], $0x800  }
0xe6: {  	[sflag:s2] =	ssyncset.done $0x0  }
0xe7: {  	[sflag:s2] =	ssyncadd.s32 $0xFFFFF800;
	_ =	sdelay $0x2  }
0xe8: {  	_ =	swait.ge [sflag:s2], $0x800  }
0xe9: {  	[sflag:s2] =	ssyncset.done $0x0  }
0xea: {  	[sflag:s2] =	ssyncadd.s32 $0xFFFFF800;
	_ =	sdelay $0x2  }
0xeb: {  	_ =	swait.ge [sflag:s2], $0x800  }
0xec: {  	[sflag:s2] =	ssyncset.done $0x0  }
0xed: {  	[sflag:s2] =	ssyncadd.s32 $0xFFFFF800;
	_ =	sdelay $0x2  }
0xee: {  	_ =	swait.ge [sflag:s2], $0x800  }
0xef: {  	[sflag:s2] =	ssyncset.done $0x0  }
0xf0: {  	[sflag:s2] =	ssyncadd.s32 $0xFFFFF800;
	_ =	sdelay $0x2  }
0xf1: {  	_ =	swait.ge [sflag:s2], $0x800  }
0xf2: {  	[sflag:s2] =	ssyncset.done $0x0  }
0xf3: {  	[sflag:s2] =	ssyncadd.s32 $0xFFFFF800;
	_ =	sdelay $0x2  }
0xf4: {  	_ =	swait.ge [sflag:s2], $0x800  }
0xf5: {  	[sflag:s2] =	ssyncset.done $0x0  }
0xf6: {  	[sflag:s2] =	ssyncadd.s32 $0xFFFFF800;
	_ =	sdelay $0x2  }
0xf7: {  	_ =	swait.ge [sflag:s2], $0x800  }
0xf8: {  	[sflag:s2] =	ssyncset.done $0x0  }
0xf9: {  	[sflag:s2] =	ssyncadd.s32 $0xFFFFF800;
	_ =	sdelay $0x2  }
0xfa: {  	_ =	swait.ge [sflag:s2], $0x800  }
0xfb: {  	[sflag:s2] =	ssyncset.done $0x0  }
0xfc: {  	[sflag:s2] =	ssyncadd.s32 $0xFFFFF800;
	_ =	sdelay $0x2  }
0xfd: {  	_ =	swait.ge [sflag:s2], $0x800  }
0xfe: {  	[sflag:s2] =	ssyncset.done $0x0  }
0xff: {  	[sflag:s2] =	ssyncadd.s32 $0xFFFFF800;
	_ =	sdelay $0x2  }
0x100: {  	_ =	swait.ge [sflag:s2], $0x800  }
0x101: {  	[sflag:s2] =	ssyncset.done $0x0  }
0x102: {  	[sflag:s2] =	ssyncadd.s32 $0xFFFFF800;
	_ =	sdelay $0x2  }
0x103: {  	_ =	swait.ge [sflag:s2], $0x800  }
0x104: {  	[sflag:s2] =	ssyncset.done $0x0  }
0x105: {  	[sflag:s2] =	ssyncadd.s32 $0xFFFFF800;
	_ =	sdelay $0x2  }
0x106: {  	_ =	swait.ge [sflag:s2], $0x800  }
0x107: {  	[sflag:s2] =	ssyncset.done $0x0  }
0x108: {  	[sflag:s2] =	ssyncadd.s32 $0xFFFFF800;
	_ =	sdelay $0x2  }
0x109: {  	_ =	swait.ge [sflag:s2], $0x800  }
0x10a: {  	[sflag:s2] =	ssyncset.done $0x0  }
0x10b: {  	[sflag:s2] =	ssyncadd.s32 $0xFFFFF800;
	_ =	sdelay $0x2  }
0x10c: {  	_ =	swait.ge [sflag:s2], $0x800  }
0x10d: {  	[sflag:s2] =	ssyncset.done $0x0  }
0x10e: {  	[sflag:s2] =	ssyncadd.s32 $0xFFFFF800;
	_ =	sdelay $0x2  }
0x10f: {  	_ =	swait.ge [sflag:s2], $0x800  }
0x110: {  	[sflag:s2] =	ssyncset.done $0x0  }
0x111: {  	[sflag:s2] =	ssyncadd.s32 $0xFFFFF800;
	_ =	sdelay $0x2  }
0x112: {  	_ =	swait.ge [sflag:s2], $0x800  }
0x113: {  	[sflag:s2] =	ssyncset.done $0x0  }
0x114: {  	[sflag:s2] =	ssyncadd.s32 $0xFFFFF800;
	_ =	sdelay $0x2  }
0x115: {  	_ =	swait.ge [sflag:s2], $0x800  }
0x116: {  	[sflag:s2] =	ssyncset.done $0x0  }
0x117: {  	[sflag:s2] =	ssyncadd.s32 $0xFFFFF800;
	_ =	sdelay $0x2  }
0x118: {  	_ =	swait.ge [sflag:s2], $0x800  }
0x119: {  	[sflag:s2] =	ssyncset.done $0x0  }
0x11a: {  	[sflag:s2] =	ssyncadd.s32 $0xFFFFF800;
	_ =	sdelay $0x2  }
0x11b: {  	_ =	swait.ge [sflag:s2], $0x800  }
0x11c: {  	[sflag:s2] =	ssyncset.done $0x0  }
0x11d: {  	[sflag:s2] =	ssyncadd.s32 $0xFFFFF800;
	_ =	sdelay $0x2  }
0x11e: {  	_ =	swait.ge [sflag:s2], $0x800  }
0x11f: {  	[sflag:s2] =	ssyncset.done $0x0  }
0x120: {  	[sflag:s2] =	ssyncadd.s32 $0xFFFFF800;
	_ =	sdelay $0x2  }
0x121: {  	_ =	swait.ge [sflag:s2], $0x800  }
0x122: {  	[sflag:s2] =	ssyncset.done $0x0  }
0x123: {  	[sflag:s2] =	ssyncadd.s32 $0xFFFFF800;
	_ =	sdelay $0x2  }
0x124: {  	_ =	swait.ge [sflag:s2], $0x800  }
0x125: {  	[sflag:s2] =	ssyncset.done $0x0  }
0x126: {  	[sflag:s2] =	ssyncadd.s32 $0xFFFFF800;
	_ =	sdelay $0x2  }
0x127: {  	_ =	swait.ge [sflag:s2], $0x800  }
0x128: {  	[sflag:s2] =	ssyncset.done $0x0  }
0x129: {  	[sflag:s2] =	ssyncadd.s32 $0xFFFFF800;
	_ =	sdelay $0x2  }
0x12a: {  	_ =	swait.ge [sflag:s2], $0x800  }
0x12b: {  	[sflag:s2] =	ssyncset.done $0x0  }
0x12c: {  	[sflag:s2] =	ssyncadd.s32 $0xFFFFF800;
	_ =	sdelay $0x2  }
0x12d: {  	_ =	swait.ge [sflag:s2], $0x800  }
0x12e: {  	[sflag:s2] =	ssyncset.done $0x0  }
0x12f: {  	[sflag:s2] =	ssyncadd.s32 $0xFFFFF800;
	_ =	sdelay $0x2  }
0x130: {  	_ =	swait.ge [sflag:s2], $0x800  }
0x131: {  	[sflag:s2] =	ssyncset.done $0x0  }
0x132: {  	[sflag:s2] =	ssyncadd.s32 $0xFFFFF800;
	_ =	sdelay $0x2  }
0x133: {  	_ =	swait.ge [sflag:s2], $0x800  }
0x134: {  	[sflag:s2] =	ssyncset.done $0x0  }
0x135: {  	[sflag:s2] =	ssyncadd.s32 $0xFFFFF800;
	_ =	sdelay $0x2  }
0x136: {  	_ =	swait.ge [sflag:s2], $0x800  }
0x137: {  	[sflag:s2] =	ssyncset.done $0x0  }
0x138: {  	[sflag:s2] =	ssyncadd.s32 $0xFFFFF800;
	_ =	sdelay $0x2  }
0x139: {  	_ =	swait.ge [sflag:s2], $0x800  }
0x13a: {  	[sflag:s2] =	ssyncset.done $0x0  }
0x13b: {  	[sflag:s2] =	ssyncadd.s32 $0xFFFFF800;
	_ =	sdelay $0x2  }
0x13c: {  	_ =	swait.ge [sflag:s2], $0x800  }
0x13d: {  	[sflag:s2] =	ssyncset.done $0x0  }
0x13e: {  	[sflag:s2] =	ssyncadd.s32 $0xFFFFF800;
	_ =	sdelay $0x2  }
0x13f: {  	_ =	swait.ge [sflag:s2], $0x800  }
0x140: {  	[sflag:s2] =	ssyncset.done $0x0  }
0x141: {  	[sflag:s2] =	ssyncadd.s32 $0xFFFFF800;
	_ =	sdelay $0x2  }
0x142: {  	_ =	swait.ge [sflag:s2], $0x800  }
0x143: {  	[sflag:s2] =	ssyncset.done $0x0  }
0x144: {  	[sflag:s2] =	ssyncadd.s32 $0xFFFFF800;
	_ =	sdelay $0x2  }
0x145: {  	_ =	swait.ge [sflag:s2], $0x800  }
0x146: {  	[sflag:s2] =	ssyncset.done $0x0  }
0x147: {  	[sflag:s2] =	ssyncadd.s32 $0xFFFFF800;
	_ =	sdelay $0x2  }
0x148: {  	_ =	swait.ge [sflag:s2], $0x800  }
0x149: {  	[sflag:s2] =	ssyncset.done $0x0  }
0x14a: {  	[sflag:s2] =	ssyncadd.s32 $0xFFFFF800;
	_ =	sdelay $0x2  }
0x14b: {  	_ =	swait.ge [sflag:s2], $0x800  }
0x14c: {  	[sflag:s2] =	ssyncset.done $0x0  }
0x14d: {  	[sflag:s2] =	ssyncadd.s32 $0xFFFFF800;
	_ =	sdelay $0x2  }
0x14e: {  	_ =	swait.ge [sflag:s2], $0x800  }
0x14f: {  	[sflag:s2] =	ssyncset.done $0x0  }
0x150: {  	[sflag:s2] =	ssyncadd.s32 $0xFFFFF800;
	_ =	sdelay $0x2  }
0x151: {  	_ =	swait.ge [sflag:s2], $0x800  }
0x152: {  	[sflag:s2] =	ssyncset.done $0x0  }
0x153: {  	[sflag:s2] =	ssyncadd.s32 $0xFFFFF800;
	_ =	sdelay $0x2  }
0x154: {  	_ =	swait.ge [sflag:s2], $0x800  }
0x155: {  	[sflag:s2] =	ssyncset.done $0x0  }
0x156: {  	[sflag:s2] =	ssyncadd.s32 $0xFFFFF800;
	_ =	sdelay $0x2  }
0x157: {  	_ =	swait.ge [sflag:s2], $0x800  }
0x158: {  	[sflag:s2] =	ssyncset.done $0x0  }
0x159: {  	[sflag:s2] =	ssyncadd.s32 $0xFFFFF800;
	_ =	sdelay $0x2  }
0x15a: {  	_ =	swait.ge [sflag:s2], $0x800  }
0x15b: {  	[sflag:s2] =	ssyncset.done $0x0  }
0x15c: {  	[sflag:s2] =	ssyncadd.s32 $0xFFFFF800;
	_ =	sdelay $0x2  }
0x15d: {  	_ =	swait.ge [sflag:s2], $0x800  }
0x15e: {  	[sflag:s2] =	ssyncset.done $0x0  }
0x15f: {  	[sflag:s2] =	ssyncadd.s32 $0xFFFFF800;
	_ =	sdelay $0x2  }
0x160: {  	_ =	swait.ge [sflag:s2], $0x800  }
0x161: {  	[sflag:s2] =	ssyncset.done $0x0  }
0x162: {  	[sflag:s2] =	ssyncadd.s32 $0xFFFFF800;
	_ =	sdelay $0x2  }
0x163: {  	_ =	swait.ge [sflag:s2], $0x800  }
0x164: {  	[sflag:s2] =	ssyncset.done $0x0  }
0x165: {  	[sflag:s2] =	ssyncadd.s32 $0xFFFFF800;
	_ =	sdelay $0x2  }
0x166: {  	_ =	swait.ge [sflag:s2], $0x800  }
0x167: {  	[sflag:s2] =	ssyncset.done $0x0  }
0x168: {  	[sflag:s2] =	ssyncadd.s32 $0xFFFFF800;
	_ =	sdelay $0x2  }
0x169: {  	_ =	swait.ge [sflag:s2], $0x800  }
0x16a: {  	[sflag:s2] =	ssyncset.done $0x0  }
0x16b: {  	[sflag:s2] =	ssyncadd.s32 $0xFFFFF800;
	_ =	sdelay $0x2  }
0x16c: {  	_ =	swait.ge [sflag:s2], $0x800  }
0x16d: {  	[sflag:s2] =	ssyncset.done $0x0  }
0x16e: {  	[sflag:s2] =	ssyncadd.s32 $0xFFFFF800;
	_ =	sdelay $0x2  }
0x16f: {  	_ =	swait.ge [sflag:s2], $0x800  }
0x170: {  	[sflag:s2] =	ssyncset.done $0x0  }
0x171: {  	[sflag:s2] =	ssyncadd.s32 $0xFFFFF800;
	_ =	sdelay $0x2  }
0x172: {  	_ =	swait.ge [sflag:s2], $0x800  }
0x173: {  	[sflag:s2] =	ssyncset.done $0x0  }
0x174: {  	[sflag:s2] =	ssyncadd.s32 $0xFFFFF800;
	_ =	sdelay $0x2  }
0x175: {  	_ =	swait.ge [sflag:s2], $0x800  }
0x176: {  	[sflag:s2] =	ssyncset.done $0x0  }
0x177: {  	[sflag:s2] =	ssyncadd.s32 $0xFFFFF800;
	_ =	sdelay $0x2  }
0x178: {  	_ =	swait.ge [sflag:s2], $0x800  }
0x179: {  	[sflag:s2] =	ssyncset.done $0x0  }
0x17a: {  	[sflag:s2] =	ssyncadd.s32 $0xFFFFF800;
	_ =	sdelay $0x2  }
0x17b: {  	_ =	swait.ge [sflag:s2], $0x800  }
0x17c: {  	[sflag:s2] =	ssyncset.done $0x0  }
0x17d: {  	[sflag:s2] =	ssyncadd.s32 $0xFFFFF800;
	_ =	sdelay $0x2  }
0x17e: {  	_ =	swait.ge [sflag:s2], $0x800  }
0x17f: {  	[sflag:s2] =	ssyncset.done $0x0  }
0x180: {  	[sflag:s2] =	ssyncadd.s32 $0xFFFFF800;
	_ =	sdelay $0x2  }
0x181: {  	_ =	swait.ge [sflag:s2], $0x800  }
0x182: {  	[sflag:s2] =	ssyncset.done $0x0  }
0x183: {  	[sflag:s2] =	ssyncadd.s32 $0xFFFFF800;
	_ =	sdelay $0x2  }
0x184: {  	_ =	swait.ge [sflag:s2], $0x800  }
0x185: {  	[sflag:s2] =	ssyncset.done $0x0  }
0x186: {  	[sflag:s2] =	ssyncadd.s32 $0xFFFFF800  }
0x187: {  	_ =	strace $0x90000046  }
0x188: {  	_ =	sfence  }
0x189: {  	s29 =	sld [smem:$0x0];
	_ =	sdelay $0x2  }
0x18a: {  	s3 =	sshll.u32 s1, $0xD;
	s30 =	sshrl.u32 s1, $0x2  }
0x18b: {  	s31 =	sand.u32 $0x4000, s3;
	s1 =	sadd.s32 s30, s29  }
0x18c: {  	s0 =	sor.u32 s31, s0;
	s1 =	sshll.u32 s1, $0x11  }
0x18d: {  	s0 =	sor.u32 s1, s0  }
0x18e: {  	s0 =	sadd.s32 $0x8F2B, s0;
	(pc) =	sbr.abs _section_cstart, $3  }
0x18f: {  	[sflag:s0] =	ssyncadd.remote.s32 $0x1  }
0x190: {  	_ =	strace $0x9FFFFFFF  }
0x191: {  	(tm) =	ssettm $0x7FFFFFFF  }

</sc_bundles>
